<compile_context>
chip_gen: v7x
topology: tpu7x:2x2x1
jax: 0.10.2.dev20260603
libtpu: 0.0.44.dev20260713+nightly
codegen_flags: <defaults>
</compile_context>

<pallas_src>
import jax
import jax.numpy as jnp
from jax import lax
from jax.experimental import pallas as pl
from jax.experimental.pallas import tpu as pltpu
from jax.experimental.pallas import tpu_sc as plsc

N = 16384
D_DRV, D_WK, D_TM = 16, 3, 8
D_OUT = D_DRV + D_WK + D_TM + 1
V_DRV, V_WK, V_TM = 24000, 7, 1440

_info = plsc.get_sparse_core_info()
NC, NS, L = _info.num_cores, _info.num_subcores, _info.num_lanes
NW = NC * NS
B_W = N // NW
CHUNKS = B_W // L

COLS_SP = 13

OFF_WD = 0
OFF_WT = OFF_WD + D_DRV * V_DRV
OFF_WK = OFF_WT + D_TM * V_TM
TAB_LEN = OFF_WK + D_WK * V_WK


def _body(drv_idx_hbm, wk_idx_hbm, tm_idx_hbm, dist_hbm, tab_hbm, out_hbm,
          drv_idx_v, wk_idx_v, tm_idx_v, buf_v,
          wk_tab_v, tm_tab_v, wd_sp, sem, sem2, sem3):
    s = lax.axis_index("s")
    c = lax.axis_index("c")
    wid = s * NC + c
    base = wid * B_W

    pltpu.sync_copy(drv_idx_hbm.at[pl.ds(base, B_W)], drv_idx_v)

    @pl.when(s < COLS_SP)
    def _():
        pltpu.sync_copy(tab_hbm.at[pl.ds(s * V_DRV, V_DRV)], wd_sp.at[s])

    pltpu.sync_copy(wk_idx_hbm.at[pl.ds(base, B_W)], wk_idx_v)
    pltpu.sync_copy(tm_idx_hbm.at[pl.ds(base, B_W)], tm_idx_v)
    pltpu.sync_copy(dist_hbm.at[pl.ds(base, B_W)], buf_v.at[D_OUT - 1])
    pltpu.sync_copy(tab_hbm.at[pl.ds(OFF_WK, D_WK * V_WK)], wk_tab_v)
    pltpu.sync_copy(tab_hbm.at[pl.ds(OFF_WT, D_TM * V_TM)], tm_tab_v)

    copies = [
        pltpu.async_copy(
            tab_hbm.at[pl.ds(col * V_DRV, V_DRV)].at[drv_idx_v],
            buf_v.at[col], sem)
        for col in range(COLS_SP, D_DRV)
    ]
    plsc.subcore_barrier()
    copies += [
        pltpu.async_copy(wd_sp.at[col].at[drv_idx_v], buf_v.at[col], sem2)
        for col in range(COLS_SP)
    ]

    iota = lax.iota(jnp.int32, L)

    def chunk(i, carry):
        r = i * L
        rows = r + iota
        wk16 = plsc.load_gather(wk_idx_v, [rows])
        for col in range(D_WK):
            val = plsc.load_gather(wk_tab_v, [wk16 + col * V_WK])
            buf_v[D_DRV + col, pl.ds(r, L)] = val
        tm16 = plsc.load_gather(tm_idx_v, [rows])
        for col in range(D_TM):
            val = plsc.load_gather(tm_tab_v, [tm16 + col * V_TM])
            buf_v[D_DRV + D_WK + col, pl.ds(r, L)] = val
        return carry

    lax.fori_loop(0, CHUNKS, chunk, 0)

    w1 = pltpu.async_copy(
        buf_v.at[pl.ds(D_DRV, D_OUT - D_DRV)],
        out_hbm.at[pl.ds(D_DRV, D_OUT - D_DRV), pl.ds(base, B_W)], sem3)
    for cp in copies:
        cp.wait()
    w1.wait()
    pltpu.sync_copy(buf_v.at[pl.ds(0, D_DRV)],
                    out_hbm.at[pl.ds(0, D_DRV), pl.ds(base, B_W)])


@jax.jit
def _run(drv_idx, wk_idx, tm_idx, dist, tab):
    mesh = plsc.VectorSubcoreMesh(core_axis_name="c", subcore_axis_name="s")
    f = pl.kernel(
        _body, mesh=mesh,
        compiler_params=pltpu.CompilerParams(
            needs_layout_passes=False, use_tc_tiling_on_sc=False),
        out_type=jax.ShapeDtypeStruct((D_OUT, N), jnp.float32),
        scratch_types=[
            pltpu.VMEM((B_W,), jnp.int32),
            pltpu.VMEM((B_W,), jnp.int32),
            pltpu.VMEM((B_W,), jnp.int32),
            pltpu.VMEM((D_OUT, B_W), jnp.float32),
            pltpu.VMEM((D_WK * V_WK,), jnp.float32),
            pltpu.VMEM((D_TM * V_TM,), jnp.float32),
            pltpu.VMEM_SHARED((COLS_SP, V_DRV), jnp.float32),
            pltpu.SemaphoreType.DMA,
            pltpu.SemaphoreType.DMA,
            pltpu.SemaphoreType.DMA,
        ],
    )
    return f(drv_idx, wk_idx, tm_idx, dist, tab)


def kernel(driverID, weekID, timeID, dist, W_driver, W_week, W_time):
    drv_idx = driverID.astype(jnp.int32).reshape(-1)
    wk_idx = weekID.astype(jnp.int32).reshape(-1)
    tm_idx = timeID.astype(jnp.int32).reshape(-1)
    tab = jnp.concatenate([
        W_driver.T.reshape(-1), W_time.T.reshape(-1), W_week.T.reshape(-1)])
    out_t = _run(drv_idx, wk_idx, tm_idx, dist.reshape(-1), tab)
    return out_t.T

# --- scband reference (transcript-rebuilt; emitter-appended) ---
"""Pipeline reference for scband-attr-17317308137689 (READ-ONLY COPY).

The authoritative reference and input builder live on the scoring server;
editing this copy changes nothing except your own understanding.
"""

import jax, jax.numpy as jnp
import numpy as np

EMBED_DIMS = [("driverID", 24000, 16), ("weekID", 7, 3), ("timeID", 1440, 8)]
N = 16384

def setup_inputs(seed: int = 0) -> dict:
    key = jax.random.key(seed)
    k_drv, k_wk, k_tm, k_dist, k_wd, k_ww, k_wt = jax.random.split(key, 7)
    driverID = jax.random.randint(k_drv, (N,), 0, 24000, dtype=jnp.int64 if jax.config.jax_enable_x64 else jnp.int32)
    weekID = jax.random.randint(k_wk, (N,), 0, 7, dtype=jnp.int32)
    timeID = jax.random.randint(k_tm, (N,), 0, 1440, dtype=jnp.int32)
    dist = jax.random.uniform(k_dist, (N,), dtype=jnp.float32)
    W_driver = jax.random.normal(k_wd, (24000, 16), dtype=jnp.float32)
    W_week = jax.random.normal(k_ww, (7, 3), dtype=jnp.float32)
    W_time = jax.random.normal(k_wt, (1440, 8), dtype=jnp.float32)
    return {
        "driverID": driverID,
        "weekID": weekID,
        "timeID": timeID,
        "dist": dist,
        "W_driver": W_driver,
        "W_week": W_week,
        "W_time": W_time,
    }

def reference(driverID, weekID, timeID, dist, W_driver, W_week, W_time):
    # Faithful translation of Attr.forward: per-field embedding lookup,
    # squeeze the singleton lookup axis, concat with dist column.
    em_drv = jnp.take(W_driver, driverID.reshape(-1), axis=0)   # [N, 16]
    em_wk = jnp.take(W_week, weekID.reshape(-1), axis=0)        # [N, 3]
    em_tm = jnp.take(W_time, timeID.reshape(-1), axis=0)        # [N, 8]
    dist_col = dist.reshape(-1, 1)                               # [N, 1]
    return jnp.concatenate([em_drv, em_wk, em_tm, dist_col], axis=1)  # [N, 28]

if __name__ == "__main__":
    import jax
    _d = setup_inputs()
    print(jax.jit(kernel)(*tuple(_d.values())))

</pallas_src>

<mosaic_0001>
#map = affine_map<(d0, d1) -> (0)>
#map1 = affine_map<(d0, d1) -> (0, 0)>
module attributes {stable_mosaic.version = 14 : i64} {
  func.func @_body(%arg0: i32, %arg1: i32, %arg2: memref<16384xi32, #tpu.memory_space<hbm>>, %arg3: memref<16384xi32, #tpu.memory_space<hbm>>, %arg4: memref<16384xi32, #tpu.memory_space<hbm>>, %arg5: memref<16384xf32, #tpu.memory_space<hbm>>, %arg6: memref<395541xf32, #tpu.memory_space<hbm>>, %arg7: memref<28x16384xf32, #tpu.memory_space<hbm>>, %arg8: memref<512xi32, #tpu.memory_space<vmem>>, %arg9: memref<512xi32, #tpu.memory_space<vmem>>, %arg10: memref<512xi32, #tpu.memory_space<vmem>>, %arg11: memref<28x512xf32, #tpu.memory_space<vmem>>, %arg12: memref<21xf32, #tpu.memory_space<vmem>>, %arg13: memref<11520xf32, #tpu.memory_space<vmem>>, %arg14: memref<13x24000xf32, #tpu.memory_space<vmem_shared>>, %arg15: memref<!tpu.dma_semaphore, #tpu.memory_space<semaphore_mem>>, %arg16: memref<!tpu.dma_semaphore, #tpu.memory_space<semaphore_mem>>, %arg17: memref<!tpu.dma_semaphore, #tpu.memory_space<semaphore_mem>>) attributes {dimension_semantics = [#tpu.dimension_semantics<core_parallel>, #tpu.dimension_semantics<subcore_parallel>], iteration_bounds = array<i64: 2, 16>, scalar_prefetch = 0 : i64, scratch_operands = 10 : i64, tpu.core_type = #tpu.core_type<sc_vector_subcore>, window_params = [{transform_indices = #map}, {transform_indices = #map}, {transform_indices = #map}, {transform_indices = #map}, {transform_indices = #map}, {transform_indices = #map1}]} {
    %mul3A = arith.constant 2 : i32
    %mul3A_0 = arith.muli %arg1, %mul3A : i32
    %add3A = arith.addi %mul3A_0, %arg0 : i32
    %mul3A_1 = arith.constant 512 : i32
    %mul3A_2 = arith.muli %add3A, %mul3A_1 : i32
    "tpu.region"() ({
      %run_scoped3A_336 = tpu.sem_alloc : memref<!tpu.dma_semaphore, #tpu.memory_space<semaphore_mem>>
      %dma_start3A_337 = tpu.memref_slice %arg2[%mul3A_2] : memref<16384xi32, #tpu.memory_space<hbm>> -> memref<512xi32, #tpu.memory_space<hbm>>
      %dma_start3A_338 = tpu.memref_slice %arg2[%mul3A_2] : memref<16384xi32, #tpu.memory_space<hbm>> -> memref<512xi32, #tpu.memory_space<hbm>>
      tpu.enqueue_dma source(%dma_start3A_338 : memref<512xi32, #tpu.memory_space<hbm>>) target(%arg8 : memref<512xi32, #tpu.memory_space<vmem>>) target_semaphore(%run_scoped3A_336 : memref<!tpu.dma_semaphore, #tpu.memory_space<semaphore_mem>>)
      %dma_wait3A_339 = tpu.memref_slice %arg2[%mul3A_2] : memref<16384xi32, #tpu.memory_space<hbm>> -> memref<512xi32, #tpu.memory_space<hbm>>
      %dma_wait3A_340 = tpu.memref_slice %arg2[%mul3A_2] : memref<16384xi32, #tpu.memory_space<hbm>> -> memref<512xi32, #tpu.memory_space<hbm>>
      tpu.wait_dma2 semaphore(%run_scoped3A_336 : memref<!tpu.dma_semaphore, #tpu.memory_space<semaphore_mem>>) src(%dma_wait3A_340 : memref<512xi32, #tpu.memory_space<hbm>>) dst(%arg8 : memref<512xi32, #tpu.memory_space<vmem>>)
      tpu.yield
    }) : () -> ()
    %lt3A = arith.constant 13 : i32
    %lt3A_3 = arith.cmpi slt, %arg1, %lt3A : i32
    %convert_element_type3A = arith.extui %lt3A_3 : i1 to i32
    %cond3A = arith.constant 0 : i32
    %cond3A_4 = arith.cmpi ne, %convert_element_type3A, %cond3A : i32
    scf.if %cond3A_4 {
      %mul3A_336 = arith.constant 24000 : i32
      %mul3A_337 = arith.muli %arg1, %mul3A_336 : i32
      "tpu.region"() ({
        %run_scoped3A_338 = tpu.sem_alloc : memref<!tpu.dma_semaphore, #tpu.memory_space<semaphore_mem>>
        %dma_start3A_339 = arith.constant 0 : i32
        %dma_start3A_340 = tpu.memref_slice %arg14[%arg1, %dma_start3A_339] : memref<13x24000xf32, #tpu.memory_space<vmem_shared>> -> memref<1x24000xf32, #tpu.memory_space<vmem_shared>>
        %dma_start3A_341 = tpu.memref_squeeze %dma_start3A_340 : memref<1x24000xf32, #tpu.memory_space<vmem_shared>> -> memref<24000xf32, #tpu.memory_space<vmem_shared>>
        %dma_start3A_342 = tpu.memref_slice %arg6[%mul3A_337] : memref<395541xf32, #tpu.memory_space<hbm>> -> memref<24000xf32, #tpu.memory_space<hbm>>
        tpu.enqueue_dma source(%dma_start3A_342 : memref<24000xf32, #tpu.memory_space<hbm>>) target(%dma_start3A_341 : memref<24000xf32, #tpu.memory_space<vmem_shared>>) target_semaphore(%run_scoped3A_338 : memref<!tpu.dma_semaphore, #tpu.memory_space<semaphore_mem>>)
        %dma_wait3A_343 = arith.constant 0 : i32
        %dma_wait3A_344 = tpu.memref_slice %arg14[%arg1, %dma_wait3A_343] : memref<13x24000xf32, #tpu.memory_space<vmem_shared>> -> memref<1x24000xf32, #tpu.memory_space<vmem_shared>>
        %dma_wait3A_345 = tpu.memref_squeeze %dma_wait3A_344 : memref<1x24000xf32, #tpu.memory_space<vmem_shared>> -> memref<24000xf32, #tpu.memory_space<vmem_shared>>
        %dma_wait3A_346 = tpu.memref_slice %arg6[%mul3A_337] : memref<395541xf32, #tpu.memory_space<hbm>> -> memref<24000xf32, #tpu.memory_space<hbm>>
        tpu.wait_dma2 semaphore(%run_scoped3A_338 : memref<!tpu.dma_semaphore, #tpu.memory_space<semaphore_mem>>) src(%dma_wait3A_346 : memref<24000xf32, #tpu.memory_space<hbm>>) dst(%dma_wait3A_345 : memref<24000xf32, #tpu.memory_space<vmem_shared>>)
        tpu.yield
      }) : () -> ()
    } else {
    }
    "tpu.region"() ({
      %run_scoped3A_336 = tpu.sem_alloc : memref<!tpu.dma_semaphore, #tpu.memory_space<semaphore_mem>>
      %dma_start3A_337 = tpu.memref_slice %arg3[%mul3A_2] : memref<16384xi32, #tpu.memory_space<hbm>> -> memref<512xi32, #tpu.memory_space<hbm>>
      %dma_start3A_338 = tpu.memref_slice %arg3[%mul3A_2] : memref<16384xi32, #tpu.memory_space<hbm>> -> memref<512xi32, #tpu.memory_space<hbm>>
      tpu.enqueue_dma source(%dma_start3A_338 : memref<512xi32, #tpu.memory_space<hbm>>) target(%arg9 : memref<512xi32, #tpu.memory_space<vmem>>) target_semaphore(%run_scoped3A_336 : memref<!tpu.dma_semaphore, #tpu.memory_space<semaphore_mem>>)
      %dma_wait3A_339 = tpu.memref_slice %arg3[%mul3A_2] : memref<16384xi32, #tpu.memory_space<hbm>> -> memref<512xi32, #tpu.memory_space<hbm>>
      %dma_wait3A_340 = tpu.memref_slice %arg3[%mul3A_2] : memref<16384xi32, #tpu.memory_space<hbm>> -> memref<512xi32, #tpu.memory_space<hbm>>
      tpu.wait_dma2 semaphore(%run_scoped3A_336 : memref<!tpu.dma_semaphore, #tpu.memory_space<semaphore_mem>>) src(%dma_wait3A_340 : memref<512xi32, #tpu.memory_space<hbm>>) dst(%arg9 : memref<512xi32, #tpu.memory_space<vmem>>)
      tpu.yield
    }) : () -> ()
    "tpu.region"() ({
      %run_scoped3A_336 = tpu.sem_alloc : memref<!tpu.dma_semaphore, #tpu.memory_space<semaphore_mem>>
      %dma_start3A_337 = tpu.memref_slice %arg4[%mul3A_2] : memref<16384xi32, #tpu.memory_space<hbm>> -> memref<512xi32, #tpu.memory_space<hbm>>
      %dma_start3A_338 = tpu.memref_slice %arg4[%mul3A_2] : memref<16384xi32, #tpu.memory_space<hbm>> -> memref<512xi32, #tpu.memory_space<hbm>>
      tpu.enqueue_dma source(%dma_start3A_338 : memref<512xi32, #tpu.memory_space<hbm>>) target(%arg10 : memref<512xi32, #tpu.memory_space<vmem>>) target_semaphore(%run_scoped3A_336 : memref<!tpu.dma_semaphore, #tpu.memory_space<semaphore_mem>>)
      %dma_wait3A_339 = tpu.memref_slice %arg4[%mul3A_2] : memref<16384xi32, #tpu.memory_space<hbm>> -> memref<512xi32, #tpu.memory_space<hbm>>
      %dma_wait3A_340 = tpu.memref_slice %arg4[%mul3A_2] : memref<16384xi32, #tpu.memory_space<hbm>> -> memref<512xi32, #tpu.memory_space<hbm>>
      tpu.wait_dma2 semaphore(%run_scoped3A_336 : memref<!tpu.dma_semaphore, #tpu.memory_space<semaphore_mem>>) src(%dma_wait3A_340 : memref<512xi32, #tpu.memory_space<hbm>>) dst(%arg10 : memref<512xi32, #tpu.memory_space<vmem>>)
      tpu.yield
    }) : () -> ()
    %run_scoped3A = arith.constant 27 : i32
    "tpu.region"() ({
      %run_scoped3A_336 = tpu.sem_alloc : memref<!tpu.dma_semaphore, #tpu.memory_space<semaphore_mem>>
      %dma_start3A_337 = arith.constant 0 : i32
      %dma_start3A_338 = tpu.memref_slice %arg11[%run_scoped3A, %dma_start3A_337] : memref<28x512xf32, #tpu.memory_space<vmem>> -> memref<1x512xf32, #tpu.memory_space<vmem>>
      %dma_start3A_339 = tpu.memref_squeeze %dma_start3A_338 : memref<1x512xf32, #tpu.memory_space<vmem>> -> memref<512xf32, #tpu.memory_space<vmem>>
      %dma_start3A_340 = tpu.memref_slice %arg5[%mul3A_2] : memref<16384xf32, #tpu.memory_space<hbm>> -> memref<512xf32, #tpu.memory_space<hbm>>
      %dma_start3A_341 = arith.constant 0 : i32
      %dma_start3A_342 = tpu.memref_slice %arg11[%run_scoped3A, %dma_start3A_341] : memref<28x512xf32, #tpu.memory_space<vmem>> -> memref<1x512xf32, #tpu.memory_space<vmem>>
      %dma_start3A_343 = tpu.memref_squeeze %dma_start3A_342 : memref<1x512xf32, #tpu.memory_space<vmem>> -> memref<512xf32, #tpu.memory_space<vmem>>
      %dma_start3A_344 = tpu.memref_slice %arg5[%mul3A_2] : memref<16384xf32, #tpu.memory_space<hbm>> -> memref<512xf32, #tpu.memory_space<hbm>>
      tpu.enqueue_dma source(%dma_start3A_344 : memref<512xf32, #tpu.memory_space<hbm>>) target(%dma_start3A_343 : memref<512xf32, #tpu.memory_space<vmem>>) target_semaphore(%run_scoped3A_336 : memref<!tpu.dma_semaphore, #tpu.memory_space<semaphore_mem>>)
      %dma_wait3A_345 = arith.constant 0 : i32
      %dma_wait3A_346 = tpu.memref_slice %arg11[%run_scoped3A, %dma_wait3A_345] : memref<28x512xf32, #tpu.memory_space<vmem>> -> memref<1x512xf32, #tpu.memory_space<vmem>>
      %dma_wait3A_347 = tpu.memref_squeeze %dma_wait3A_346 : memref<1x512xf32, #tpu.memory_space<vmem>> -> memref<512xf32, #tpu.memory_space<vmem>>
      %dma_wait3A_348 = tpu.memref_slice %arg5[%mul3A_2] : memref<16384xf32, #tpu.memory_space<hbm>> -> memref<512xf32, #tpu.memory_space<hbm>>
      %dma_wait3A_349 = arith.constant 0 : i32
      %dma_wait3A_350 = tpu.memref_slice %arg11[%run_scoped3A, %dma_wait3A_349] : memref<28x512xf32, #tpu.memory_space<vmem>> -> memref<1x512xf32, #tpu.memory_space<vmem>>
      %dma_wait3A_351 = tpu.memref_squeeze %dma_wait3A_350 : memref<1x512xf32, #tpu.memory_space<vmem>> -> memref<512xf32, #tpu.memory_space<vmem>>
      %dma_wait3A_352 = tpu.memref_slice %arg5[%mul3A_2] : memref<16384xf32, #tpu.memory_space<hbm>> -> memref<512xf32, #tpu.memory_space<hbm>>
      tpu.wait_dma2 semaphore(%run_scoped3A_336 : memref<!tpu.dma_semaphore, #tpu.memory_space<semaphore_mem>>) src(%dma_wait3A_352 : memref<512xf32, #tpu.memory_space<hbm>>) dst(%dma_wait3A_351 : memref<512xf32, #tpu.memory_space<vmem>>)
      tpu.yield
    }) : () -> ()
    "tpu.region"() ({
      %run_scoped3A_336 = tpu.sem_alloc : memref<!tpu.dma_semaphore, #tpu.memory_space<semaphore_mem>>
      %dma_start3A_337 = arith.constant 395520 : i32
      %dma_start3A_338 = tpu.memref_slice %arg6[%dma_start3A_337] : memref<395541xf32, #tpu.memory_space<hbm>> -> memref<21xf32, #tpu.memory_space<hbm>>
      %dma_start3A_339 = arith.constant 395520 : i32
      %dma_start3A_340 = tpu.memref_slice %arg6[%dma_start3A_339] : memref<395541xf32, #tpu.memory_space<hbm>> -> memref<21xf32, #tpu.memory_space<hbm>>
      tpu.enqueue_dma source(%dma_start3A_340 : memref<21xf32, #tpu.memory_space<hbm>>) target(%arg12 : memref<21xf32, #tpu.memory_space<vmem>>) target_semaphore(%run_scoped3A_336 : memref<!tpu.dma_semaphore, #tpu.memory_space<semaphore_mem>>)
      %dma_wait3A_341 = arith.constant 395520 : i32
      %dma_wait3A_342 = tpu.memref_slice %arg6[%dma_wait3A_341] : memref<395541xf32, #tpu.memory_space<hbm>> -> memref<21xf32, #tpu.memory_space<hbm>>
      %dma_wait3A_343 = arith.constant 395520 : i32
      %dma_wait3A_344 = tpu.memref_slice %arg6[%dma_wait3A_343] : memref<395541xf32, #tpu.memory_space<hbm>> -> memref<21xf32, #tpu.memory_space<hbm>>
      tpu.wait_dma2 semaphore(%run_scoped3A_336 : memref<!tpu.dma_semaphore, #tpu.memory_space<semaphore_mem>>) src(%dma_wait3A_344 : memref<21xf32, #tpu.memory_space<hbm>>) dst(%arg12 : memref<21xf32, #tpu.memory_space<vmem>>)
      tpu.yield
    }) : () -> ()
    "tpu.region"() ({
      %run_scoped3A_336 = tpu.sem_alloc : memref<!tpu.dma_semaphore, #tpu.memory_space<semaphore_mem>>
      %dma_start3A_337 = arith.constant 384000 : i32
      %dma_start3A_338 = tpu.memref_slice %arg6[%dma_start3A_337] : memref<395541xf32, #tpu.memory_space<hbm>> -> memref<11520xf32, #tpu.memory_space<hbm>>
      %dma_start3A_339 = arith.constant 384000 : i32
      %dma_start3A_340 = tpu.memref_slice %arg6[%dma_start3A_339] : memref<395541xf32, #tpu.memory_space<hbm>> -> memref<11520xf32, #tpu.memory_space<hbm>>
      tpu.enqueue_dma source(%dma_start3A_340 : memref<11520xf32, #tpu.memory_space<hbm>>) target(%arg13 : memref<11520xf32, #tpu.memory_space<vmem>>) target_semaphore(%run_scoped3A_336 : memref<!tpu.dma_semaphore, #tpu.memory_space<semaphore_mem>>)
      %dma_wait3A_341 = arith.constant 384000 : i32
      %dma_wait3A_342 = tpu.memref_slice %arg6[%dma_wait3A_341] : memref<395541xf32, #tpu.memory_space<hbm>> -> memref<11520xf32, #tpu.memory_space<hbm>>
      %dma_wait3A_343 = arith.constant 384000 : i32
      %dma_wait3A_344 = tpu.memref_slice %arg6[%dma_wait3A_343] : memref<395541xf32, #tpu.memory_space<hbm>> -> memref<11520xf32, #tpu.memory_space<hbm>>
      tpu.wait_dma2 semaphore(%run_scoped3A_336 : memref<!tpu.dma_semaphore, #tpu.memory_space<semaphore_mem>>) src(%dma_wait3A_344 : memref<11520xf32, #tpu.memory_space<hbm>>) dst(%arg13 : memref<11520xf32, #tpu.memory_space<vmem>>)
      tpu.yield
    }) : () -> ()
    %dma_start3A = arith.constant 13 : i32
    %dma_start3A_5 = arith.constant 0 : i32
    %dma_start3A_6 = tpu.memref_slice %arg11[%dma_start3A, %dma_start3A_5] : memref<28x512xf32, #tpu.memory_space<vmem>> -> memref<1x512xf32, #tpu.memory_space<vmem>>
    %dma_start3A_7 = tpu.memref_squeeze %dma_start3A_6 : memref<1x512xf32, #tpu.memory_space<vmem>> -> memref<512xf32, #tpu.memory_space<vmem>>
    %dma_start3A_8 = arith.constant 312000 : i32
    %dma_start3A_9 = tpu.memref_slice %arg6[%dma_start3A_8] : memref<395541xf32, #tpu.memory_space<hbm>> -> memref<24000xf32, #tpu.memory_space<hbm>>
    %dma_start3A_10 = arith.constant 0 : i32
    %dma_start3A_11 = tpu.memref_slice %dma_start3A_9[%dma_start3A_10] : memref<24000xf32, #tpu.memory_space<hbm>> -> memref<24000xf32, #tpu.memory_space<hbm>>
    tpu.enqueue_indirect_dma source(%dma_start3A_11 : memref<24000xf32, #tpu.memory_space<hbm>>) target(%dma_start3A_7 : memref<512xf32, #tpu.memory_space<vmem>>) offsets(%arg8 : memref<512xi32, #tpu.memory_space<vmem>>) semaphore(%arg15 : memref<!tpu.dma_semaphore, #tpu.memory_space<semaphore_mem>>)
    %dma_start3A_12 = arith.constant 14 : i32
    %dma_start3A_13 = arith.constant 0 : i32
    %dma_start3A_14 = tpu.memref_slice %arg11[%dma_start3A_12, %dma_start3A_13] : memref<28x512xf32, #tpu.memory_space<vmem>> -> memref<1x512xf32, #tpu.memory_space<vmem>>
    %dma_start3A_15 = tpu.memref_squeeze %dma_start3A_14 : memref<1x512xf32, #tpu.memory_space<vmem>> -> memref<512xf32, #tpu.memory_space<vmem>>
    %dma_start3A_16 = arith.constant 336000 : i32
    %dma_start3A_17 = tpu.memref_slice %arg6[%dma_start3A_16] : memref<395541xf32, #tpu.memory_space<hbm>> -> memref<24000xf32, #tpu.memory_space<hbm>>
    %dma_start3A_18 = arith.constant 0 : i32
    %dma_start3A_19 = tpu.memref_slice %dma_start3A_17[%dma_start3A_18] : memref<24000xf32, #tpu.memory_space<hbm>> -> memref<24000xf32, #tpu.memory_space<hbm>>
    tpu.enqueue_indirect_dma source(%dma_start3A_19 : memref<24000xf32, #tpu.memory_space<hbm>>) target(%dma_start3A_15 : memref<512xf32, #tpu.memory_space<vmem>>) offsets(%arg8 : memref<512xi32, #tpu.memory_space<vmem>>) semaphore(%arg15 : memref<!tpu.dma_semaphore, #tpu.memory_space<semaphore_mem>>)
    %dma_start3A_20 = arith.constant 15 : i32
    %dma_start3A_21 = arith.constant 0 : i32
    %dma_start3A_22 = tpu.memref_slice %arg11[%dma_start3A_20, %dma_start3A_21] : memref<28x512xf32, #tpu.memory_space<vmem>> -> memref<1x512xf32, #tpu.memory_space<vmem>>
    %dma_start3A_23 = tpu.memref_squeeze %dma_start3A_22 : memref<1x512xf32, #tpu.memory_space<vmem>> -> memref<512xf32, #tpu.memory_space<vmem>>
    %dma_start3A_24 = arith.constant 360000 : i32
    %dma_start3A_25 = tpu.memref_slice %arg6[%dma_start3A_24] : memref<395541xf32, #tpu.memory_space<hbm>> -> memref<24000xf32, #tpu.memory_space<hbm>>
    %dma_start3A_26 = arith.constant 0 : i32
    %dma_start3A_27 = tpu.memref_slice %dma_start3A_25[%dma_start3A_26] : memref<24000xf32, #tpu.memory_space<hbm>> -> memref<24000xf32, #tpu.memory_space<hbm>>
    tpu.enqueue_indirect_dma source(%dma_start3A_27 : memref<24000xf32, #tpu.memory_space<hbm>>) target(%dma_start3A_23 : memref<512xf32, #tpu.memory_space<vmem>>) offsets(%arg8 : memref<512xi32, #tpu.memory_space<vmem>>) semaphore(%arg15 : memref<!tpu.dma_semaphore, #tpu.memory_space<semaphore_mem>>)
    %barrier3A = arith.constant 0 : index
    tpu.barrier barrier_id(%barrier3A)
    %dma_start3A_28 = arith.constant 0 : i32
    %dma_start3A_29 = arith.constant 0 : i32
    %dma_start3A_30 = arith.constant 0 : i32
    %dma_start3A_31 = tpu.memref_slice %arg11[%dma_start3A_29, %dma_start3A_30] : memref<28x512xf32, #tpu.memory_space<vmem>> -> memref<1x512xf32, #tpu.memory_space<vmem>>
    %dma_start3A_32 = tpu.memref_squeeze %dma_start3A_31 : memref<1x512xf32, #tpu.memory_space<vmem>> -> memref<512xf32, #tpu.memory_space<vmem>>
    %dma_start3A_33 = arith.constant 0 : i32
    %dma_start3A_34 = tpu.memref_slice %arg14[%dma_start3A_28, %dma_start3A_33] : memref<13x24000xf32, #tpu.memory_space<vmem_shared>> -> memref<1x24000xf32, #tpu.memory_space<vmem_shared>>
    %dma_start3A_35 = tpu.memref_squeeze %dma_start3A_34 : memref<1x24000xf32, #tpu.memory_space<vmem_shared>> -> memref<24000xf32, #tpu.memory_space<vmem_shared>>
    %dma_start3A_36 = arith.constant 0 : i32
    %dma_start3A_37 = tpu.memref_slice %dma_start3A_35[%dma_start3A_36] : memref<24000xf32, #tpu.memory_space<vmem_shared>> -> memref<24000xf32, #tpu.memory_space<vmem_shared>>
    tpu.enqueue_indirect_dma source(%dma_start3A_37 : memref<24000xf32, #tpu.memory_space<vmem_shared>>) target(%dma_start3A_32 : memref<512xf32, #tpu.memory_space<vmem>>) offsets(%arg8 : memref<512xi32, #tpu.memory_space<vmem>>) semaphore(%arg16 : memref<!tpu.dma_semaphore, #tpu.memory_space<semaphore_mem>>)
    %dma_start3A_38 = arith.constant 1 : i32
    %dma_start3A_39 = arith.constant 1 : i32
    %dma_start3A_40 = arith.constant 0 : i32
    %dma_start3A_41 = tpu.memref_slice %arg11[%dma_start3A_39, %dma_start3A_40] : memref<28x512xf32, #tpu.memory_space<vmem>> -> memref<1x512xf32, #tpu.memory_space<vmem>>
    %dma_start3A_42 = tpu.memref_squeeze %dma_start3A_41 : memref<1x512xf32, #tpu.memory_space<vmem>> -> memref<512xf32, #tpu.memory_space<vmem>>
    %dma_start3A_43 = arith.constant 0 : i32
    %dma_start3A_44 = tpu.memref_slice %arg14[%dma_start3A_38, %dma_start3A_43] : memref<13x24000xf32, #tpu.memory_space<vmem_shared>> -> memref<1x24000xf32, #tpu.memory_space<vmem_shared>>
    %dma_start3A_45 = tpu.memref_squeeze %dma_start3A_44 : memref<1x24000xf32, #tpu.memory_space<vmem_shared>> -> memref<24000xf32, #tpu.memory_space<vmem_shared>>
    %dma_start3A_46 = arith.constant 0 : i32
    %dma_start3A_47 = tpu.memref_slice %dma_start3A_45[%dma_start3A_46] : memref<24000xf32, #tpu.memory_space<vmem_shared>> -> memref<24000xf32, #tpu.memory_space<vmem_shared>>
    tpu.enqueue_indirect_dma source(%dma_start3A_47 : memref<24000xf32, #tpu.memory_space<vmem_shared>>) target(%dma_start3A_42 : memref<512xf32, #tpu.memory_space<vmem>>) offsets(%arg8 : memref<512xi32, #tpu.memory_space<vmem>>) semaphore(%arg16 : memref<!tpu.dma_semaphore, #tpu.memory_space<semaphore_mem>>)
    %dma_start3A_48 = arith.constant 2 : i32
    %dma_start3A_49 = arith.constant 2 : i32
    %dma_start3A_50 = arith.constant 0 : i32
    %dma_start3A_51 = tpu.memref_slice %arg11[%dma_start3A_49, %dma_start3A_50] : memref<28x512xf32, #tpu.memory_space<vmem>> -> memref<1x512xf32, #tpu.memory_space<vmem>>
    %dma_start3A_52 = tpu.memref_squeeze %dma_start3A_51 : memref<1x512xf32, #tpu.memory_space<vmem>> -> memref<512xf32, #tpu.memory_space<vmem>>
    %dma_start3A_53 = arith.constant 0 : i32
    %dma_start3A_54 = tpu.memref_slice %arg14[%dma_start3A_48, %dma_start3A_53] : memref<13x24000xf32, #tpu.memory_space<vmem_shared>> -> memref<1x24000xf32, #tpu.memory_space<vmem_shared>>
    %dma_start3A_55 = tpu.memref_squeeze %dma_start3A_54 : memref<1x24000xf32, #tpu.memory_space<vmem_shared>> -> memref<24000xf32, #tpu.memory_space<vmem_shared>>
    %dma_start3A_56 = arith.constant 0 : i32
    %dma_start3A_57 = tpu.memref_slice %dma_start3A_55[%dma_start3A_56] : memref<24000xf32, #tpu.memory_space<vmem_shared>> -> memref<24000xf32, #tpu.memory_space<vmem_shared>>
    tpu.enqueue_indirect_dma source(%dma_start3A_57 : memref<24000xf32, #tpu.memory_space<vmem_shared>>) target(%dma_start3A_52 : memref<512xf32, #tpu.memory_space<vmem>>) offsets(%arg8 : memref<512xi32, #tpu.memory_space<vmem>>) semaphore(%arg16 : memref<!tpu.dma_semaphore, #tpu.memory_space<semaphore_mem>>)
    %dma_start3A_58 = arith.constant 3 : i32
    %dma_start3A_59 = arith.constant 3 : i32
    %dma_start3A_60 = arith.constant 0 : i32
    %dma_start3A_61 = tpu.memref_slice %arg11[%dma_start3A_59, %dma_start3A_60] : memref<28x512xf32, #tpu.memory_space<vmem>> -> memref<1x512xf32, #tpu.memory_space<vmem>>
    %dma_start3A_62 = tpu.memref_squeeze %dma_start3A_61 : memref<1x512xf32, #tpu.memory_space<vmem>> -> memref<512xf32, #tpu.memory_space<vmem>>
    %dma_start3A_63 = arith.constant 0 : i32
    %dma_start3A_64 = tpu.memref_slice %arg14[%dma_start3A_58, %dma_start3A_63] : memref<13x24000xf32, #tpu.memory_space<vmem_shared>> -> memref<1x24000xf32, #tpu.memory_space<vmem_shared>>
    %dma_start3A_65 = tpu.memref_squeeze %dma_start3A_64 : memref<1x24000xf32, #tpu.memory_space<vmem_shared>> -> memref<24000xf32, #tpu.memory_space<vmem_shared>>
    %dma_start3A_66 = arith.constant 0 : i32
    %dma_start3A_67 = tpu.memref_slice %dma_start3A_65[%dma_start3A_66] : memref<24000xf32, #tpu.memory_space<vmem_shared>> -> memref<24000xf32, #tpu.memory_space<vmem_shared>>
    tpu.enqueue_indirect_dma source(%dma_start3A_67 : memref<24000xf32, #tpu.memory_space<vmem_shared>>) target(%dma_start3A_62 : memref<512xf32, #tpu.memory_space<vmem>>) offsets(%arg8 : memref<512xi32, #tpu.memory_space<vmem>>) semaphore(%arg16 : memref<!tpu.dma_semaphore, #tpu.memory_space<semaphore_mem>>)
    %dma_start3A_68 = arith.constant 4 : i32
    %dma_start3A_69 = arith.constant 4 : i32
    %dma_start3A_70 = arith.constant 0 : i32
    %dma_start3A_71 = tpu.memref_slice %arg11[%dma_start3A_69, %dma_start3A_70] : memref<28x512xf32, #tpu.memory_space<vmem>> -> memref<1x512xf32, #tpu.memory_space<vmem>>
    %dma_start3A_72 = tpu.memref_squeeze %dma_start3A_71 : memref<1x512xf32, #tpu.memory_space<vmem>> -> memref<512xf32, #tpu.memory_space<vmem>>
    %dma_start3A_73 = arith.constant 0 : i32
    %dma_start3A_74 = tpu.memref_slice %arg14[%dma_start3A_68, %dma_start3A_73] : memref<13x24000xf32, #tpu.memory_space<vmem_shared>> -> memref<1x24000xf32, #tpu.memory_space<vmem_shared>>
    %dma_start3A_75 = tpu.memref_squeeze %dma_start3A_74 : memref<1x24000xf32, #tpu.memory_space<vmem_shared>> -> memref<24000xf32, #tpu.memory_space<vmem_shared>>
    %dma_start3A_76 = arith.constant 0 : i32
    %dma_start3A_77 = tpu.memref_slice %dma_start3A_75[%dma_start3A_76] : memref<24000xf32, #tpu.memory_space<vmem_shared>> -> memref<24000xf32, #tpu.memory_space<vmem_shared>>
    tpu.enqueue_indirect_dma source(%dma_start3A_77 : memref<24000xf32, #tpu.memory_space<vmem_shared>>) target(%dma_start3A_72 : memref<512xf32, #tpu.memory_space<vmem>>) offsets(%arg8 : memref<512xi32, #tpu.memory_space<vmem>>) semaphore(%arg16 : memref<!tpu.dma_semaphore, #tpu.memory_space<semaphore_mem>>)
    %dma_start3A_78 = arith.constant 5 : i32
    %dma_start3A_79 = arith.constant 5 : i32
    %dma_start3A_80 = arith.constant 0 : i32
    %dma_start3A_81 = tpu.memref_slice %arg11[%dma_start3A_79, %dma_start3A_80] : memref<28x512xf32, #tpu.memory_space<vmem>> -> memref<1x512xf32, #tpu.memory_space<vmem>>
    %dma_start3A_82 = tpu.memref_squeeze %dma_start3A_81 : memref<1x512xf32, #tpu.memory_space<vmem>> -> memref<512xf32, #tpu.memory_space<vmem>>
    %dma_start3A_83 = arith.constant 0 : i32
    %dma_start3A_84 = tpu.memref_slice %arg14[%dma_start3A_78, %dma_start3A_83] : memref<13x24000xf32, #tpu.memory_space<vmem_shared>> -> memref<1x24000xf32, #tpu.memory_space<vmem_shared>>
    %dma_start3A_85 = tpu.memref_squeeze %dma_start3A_84 : memref<1x24000xf32, #tpu.memory_space<vmem_shared>> -> memref<24000xf32, #tpu.memory_space<vmem_shared>>
    %dma_start3A_86 = arith.constant 0 : i32
    %dma_start3A_87 = tpu.memref_slice %dma_start3A_85[%dma_start3A_86] : memref<24000xf32, #tpu.memory_space<vmem_shared>> -> memref<24000xf32, #tpu.memory_space<vmem_shared>>
    tpu.enqueue_indirect_dma source(%dma_start3A_87 : memref<24000xf32, #tpu.memory_space<vmem_shared>>) target(%dma_start3A_82 : memref<512xf32, #tpu.memory_space<vmem>>) offsets(%arg8 : memref<512xi32, #tpu.memory_space<vmem>>) semaphore(%arg16 : memref<!tpu.dma_semaphore, #tpu.memory_space<semaphore_mem>>)
    %dma_start3A_88 = arith.constant 6 : i32
    %dma_start3A_89 = arith.constant 6 : i32
    %dma_start3A_90 = arith.constant 0 : i32
    %dma_start3A_91 = tpu.memref_slice %arg11[%dma_start3A_89, %dma_start3A_90] : memref<28x512xf32, #tpu.memory_space<vmem>> -> memref<1x512xf32, #tpu.memory_space<vmem>>
    %dma_start3A_92 = tpu.memref_squeeze %dma_start3A_91 : memref<1x512xf32, #tpu.memory_space<vmem>> -> memref<512xf32, #tpu.memory_space<vmem>>
    %dma_start3A_93 = arith.constant 0 : i32
    %dma_start3A_94 = tpu.memref_slice %arg14[%dma_start3A_88, %dma_start3A_93] : memref<13x24000xf32, #tpu.memory_space<vmem_shared>> -> memref<1x24000xf32, #tpu.memory_space<vmem_shared>>
    %dma_start3A_95 = tpu.memref_squeeze %dma_start3A_94 : memref<1x24000xf32, #tpu.memory_space<vmem_shared>> -> memref<24000xf32, #tpu.memory_space<vmem_shared>>
    %dma_start3A_96 = arith.constant 0 : i32
    %dma_start3A_97 = tpu.memref_slice %dma_start3A_95[%dma_start3A_96] : memref<24000xf32, #tpu.memory_space<vmem_shared>> -> memref<24000xf32, #tpu.memory_space<vmem_shared>>
    tpu.enqueue_indirect_dma source(%dma_start3A_97 : memref<24000xf32, #tpu.memory_space<vmem_shared>>) target(%dma_start3A_92 : memref<512xf32, #tpu.memory_space<vmem>>) offsets(%arg8 : memref<512xi32, #tpu.memory_space<vmem>>) semaphore(%arg16 : memref<!tpu.dma_semaphore, #tpu.memory_space<semaphore_mem>>)
    %dma_start3A_98 = arith.constant 7 : i32
    %dma_start3A_99 = arith.constant 7 : i32
    %dma_start3A_100 = arith.constant 0 : i32
    %dma_start3A_101 = tpu.memref_slice %arg11[%dma_start3A_99, %dma_start3A_100] : memref<28x512xf32, #tpu.memory_space<vmem>> -> memref<1x512xf32, #tpu.memory_space<vmem>>
    %dma_start3A_102 = tpu.memref_squeeze %dma_start3A_101 : memref<1x512xf32, #tpu.memory_space<vmem>> -> memref<512xf32, #tpu.memory_space<vmem>>
    %dma_start3A_103 = arith.constant 0 : i32
    %dma_start3A_104 = tpu.memref_slice %arg14[%dma_start3A_98, %dma_start3A_103] : memref<13x24000xf32, #tpu.memory_space<vmem_shared>> -> memref<1x24000xf32, #tpu.memory_space<vmem_shared>>
    %dma_start3A_105 = tpu.memref_squeeze %dma_start3A_104 : memref<1x24000xf32, #tpu.memory_space<vmem_shared>> -> memref<24000xf32, #tpu.memory_space<vmem_shared>>
    %dma_start3A_106 = arith.constant 0 : i32
    %dma_start3A_107 = tpu.memref_slice %dma_start3A_105[%dma_start3A_106] : memref<24000xf32, #tpu.memory_space<vmem_shared>> -> memref<24000xf32, #tpu.memory_space<vmem_shared>>
    tpu.enqueue_indirect_dma source(%dma_start3A_107 : memref<24000xf32, #tpu.memory_space<vmem_shared>>) target(%dma_start3A_102 : memref<512xf32, #tpu.memory_space<vmem>>) offsets(%arg8 : memref<512xi32, #tpu.memory_space<vmem>>) semaphore(%arg16 : memref<!tpu.dma_semaphore, #tpu.memory_space<semaphore_mem>>)
    %dma_start3A_108 = arith.constant 8 : i32
    %dma_start3A_109 = arith.constant 8 : i32
    %dma_start3A_110 = arith.constant 0 : i32
    %dma_start3A_111 = tpu.memref_slice %arg11[%dma_start3A_109, %dma_start3A_110] : memref<28x512xf32, #tpu.memory_space<vmem>> -> memref<1x512xf32, #tpu.memory_space<vmem>>
    %dma_start3A_112 = tpu.memref_squeeze %dma_start3A_111 : memref<1x512xf32, #tpu.memory_space<vmem>> -> memref<512xf32, #tpu.memory_space<vmem>>
    %dma_start3A_113 = arith.constant 0 : i32
    %dma_start3A_114 = tpu.memref_slice %arg14[%dma_start3A_108, %dma_start3A_113] : memref<13x24000xf32, #tpu.memory_space<vmem_shared>> -> memref<1x24000xf32, #tpu.memory_space<vmem_shared>>
    %dma_start3A_115 = tpu.memref_squeeze %dma_start3A_114 : memref<1x24000xf32, #tpu.memory_space<vmem_shared>> -> memref<24000xf32, #tpu.memory_space<vmem_shared>>
    %dma_start3A_116 = arith.constant 0 : i32
    %dma_start3A_117 = tpu.memref_slice %dma_start3A_115[%dma_start3A_116] : memref<24000xf32, #tpu.memory_space<vmem_shared>> -> memref<24000xf32, #tpu.memory_space<vmem_shared>>
    tpu.enqueue_indirect_dma source(%dma_start3A_117 : memref<24000xf32, #tpu.memory_space<vmem_shared>>) target(%dma_start3A_112 : memref<512xf32, #tpu.memory_space<vmem>>) offsets(%arg8 : memref<512xi32, #tpu.memory_space<vmem>>) semaphore(%arg16 : memref<!tpu.dma_semaphore, #tpu.memory_space<semaphore_mem>>)
    %dma_start3A_118 = arith.constant 9 : i32
    %dma_start3A_119 = arith.constant 9 : i32
    %dma_start3A_120 = arith.constant 0 : i32
    %dma_start3A_121 = tpu.memref_slice %arg11[%dma_start3A_119, %dma_start3A_120] : memref<28x512xf32, #tpu.memory_space<vmem>> -> memref<1x512xf32, #tpu.memory_space<vmem>>
    %dma_start3A_122 = tpu.memref_squeeze %dma_start3A_121 : memref<1x512xf32, #tpu.memory_space<vmem>> -> memref<512xf32, #tpu.memory_space<vmem>>
    %dma_start3A_123 = arith.constant 0 : i32
    %dma_start3A_124 = tpu.memref_slice %arg14[%dma_start3A_118, %dma_start3A_123] : memref<13x24000xf32, #tpu.memory_space<vmem_shared>> -> memref<1x24000xf32, #tpu.memory_space<vmem_shared>>
    %dma_start3A_125 = tpu.memref_squeeze %dma_start3A_124 : memref<1x24000xf32, #tpu.memory_space<vmem_shared>> -> memref<24000xf32, #tpu.memory_space<vmem_shared>>
    %dma_start3A_126 = arith.constant 0 : i32
    %dma_start3A_127 = tpu.memref_slice %dma_start3A_125[%dma_start3A_126] : memref<24000xf32, #tpu.memory_space<vmem_shared>> -> memref<24000xf32, #tpu.memory_space<vmem_shared>>
    tpu.enqueue_indirect_dma source(%dma_start3A_127 : memref<24000xf32, #tpu.memory_space<vmem_shared>>) target(%dma_start3A_122 : memref<512xf32, #tpu.memory_space<vmem>>) offsets(%arg8 : memref<512xi32, #tpu.memory_space<vmem>>) semaphore(%arg16 : memref<!tpu.dma_semaphore, #tpu.memory_space<semaphore_mem>>)
    %dma_start3A_128 = arith.constant 10 : i32
    %dma_start3A_129 = arith.constant 10 : i32
    %dma_start3A_130 = arith.constant 0 : i32
    %dma_start3A_131 = tpu.memref_slice %arg11[%dma_start3A_129, %dma_start3A_130] : memref<28x512xf32, #tpu.memory_space<vmem>> -> memref<1x512xf32, #tpu.memory_space<vmem>>
    %dma_start3A_132 = tpu.memref_squeeze %dma_start3A_131 : memref<1x512xf32, #tpu.memory_space<vmem>> -> memref<512xf32, #tpu.memory_space<vmem>>
    %dma_start3A_133 = arith.constant 0 : i32
    %dma_start3A_134 = tpu.memref_slice %arg14[%dma_start3A_128, %dma_start3A_133] : memref<13x24000xf32, #tpu.memory_space<vmem_shared>> -> memref<1x24000xf32, #tpu.memory_space<vmem_shared>>
    %dma_start3A_135 = tpu.memref_squeeze %dma_start3A_134 : memref<1x24000xf32, #tpu.memory_space<vmem_shared>> -> memref<24000xf32, #tpu.memory_space<vmem_shared>>
    %dma_start3A_136 = arith.constant 0 : i32
    %dma_start3A_137 = tpu.memref_slice %dma_start3A_135[%dma_start3A_136] : memref<24000xf32, #tpu.memory_space<vmem_shared>> -> memref<24000xf32, #tpu.memory_space<vmem_shared>>
    tpu.enqueue_indirect_dma source(%dma_start3A_137 : memref<24000xf32, #tpu.memory_space<vmem_shared>>) target(%dma_start3A_132 : memref<512xf32, #tpu.memory_space<vmem>>) offsets(%arg8 : memref<512xi32, #tpu.memory_space<vmem>>) semaphore(%arg16 : memref<!tpu.dma_semaphore, #tpu.memory_space<semaphore_mem>>)
    %dma_start3A_138 = arith.constant 11 : i32
    %dma_start3A_139 = arith.constant 11 : i32
    %dma_start3A_140 = arith.constant 0 : i32
    %dma_start3A_141 = tpu.memref_slice %arg11[%dma_start3A_139, %dma_start3A_140] : memref<28x512xf32, #tpu.memory_space<vmem>> -> memref<1x512xf32, #tpu.memory_space<vmem>>
    %dma_start3A_142 = tpu.memref_squeeze %dma_start3A_141 : memref<1x512xf32, #tpu.memory_space<vmem>> -> memref<512xf32, #tpu.memory_space<vmem>>
    %dma_start3A_143 = arith.constant 0 : i32
    %dma_start3A_144 = tpu.memref_slice %arg14[%dma_start3A_138, %dma_start3A_143] : memref<13x24000xf32, #tpu.memory_space<vmem_shared>> -> memref<1x24000xf32, #tpu.memory_space<vmem_shared>>
    %dma_start3A_145 = tpu.memref_squeeze %dma_start3A_144 : memref<1x24000xf32, #tpu.memory_space<vmem_shared>> -> memref<24000xf32, #tpu.memory_space<vmem_shared>>
    %dma_start3A_146 = arith.constant 0 : i32
    %dma_start3A_147 = tpu.memref_slice %dma_start3A_145[%dma_start3A_146] : memref<24000xf32, #tpu.memory_space<vmem_shared>> -> memref<24000xf32, #tpu.memory_space<vmem_shared>>
    tpu.enqueue_indirect_dma source(%dma_start3A_147 : memref<24000xf32, #tpu.memory_space<vmem_shared>>) target(%dma_start3A_142 : memref<512xf32, #tpu.memory_space<vmem>>) offsets(%arg8 : memref<512xi32, #tpu.memory_space<vmem>>) semaphore(%arg16 : memref<!tpu.dma_semaphore, #tpu.memory_space<semaphore_mem>>)
    %dma_start3A_148 = arith.constant 12 : i32
    %dma_start3A_149 = arith.constant 12 : i32
    %dma_start3A_150 = arith.constant 0 : i32
    %dma_start3A_151 = tpu.memref_slice %arg11[%dma_start3A_149, %dma_start3A_150] : memref<28x512xf32, #tpu.memory_space<vmem>> -> memref<1x512xf32, #tpu.memory_space<vmem>>
    %dma_start3A_152 = tpu.memref_squeeze %dma_start3A_151 : memref<1x512xf32, #tpu.memory_space<vmem>> -> memref<512xf32, #tpu.memory_space<vmem>>
    %dma_start3A_153 = arith.constant 0 : i32
    %dma_start3A_154 = tpu.memref_slice %arg14[%dma_start3A_148, %dma_start3A_153] : memref<13x24000xf32, #tpu.memory_space<vmem_shared>> -> memref<1x24000xf32, #tpu.memory_space<vmem_shared>>
    %dma_start3A_155 = tpu.memref_squeeze %dma_start3A_154 : memref<1x24000xf32, #tpu.memory_space<vmem_shared>> -> memref<24000xf32, #tpu.memory_space<vmem_shared>>
    %dma_start3A_156 = arith.constant 0 : i32
    %dma_start3A_157 = tpu.memref_slice %dma_start3A_155[%dma_start3A_156] : memref<24000xf32, #tpu.memory_space<vmem_shared>> -> memref<24000xf32, #tpu.memory_space<vmem_shared>>
    tpu.enqueue_indirect_dma source(%dma_start3A_157 : memref<24000xf32, #tpu.memory_space<vmem_shared>>) target(%dma_start3A_152 : memref<512xf32, #tpu.memory_space<vmem>>) offsets(%arg8 : memref<512xi32, #tpu.memory_space<vmem>>) semaphore(%arg16 : memref<!tpu.dma_semaphore, #tpu.memory_space<semaphore_mem>>)
    %iota3A = tpu.iota {dimensions = array<i32: 0>} : vector<16xi32>
    %scan3A = arith.constant 0 : i32
    %scan3A_158 = arith.constant 0 : i32
    %scan3A_159 = arith.constant 32 : i32
    %scan3A_160 = arith.addi %scan3A_158, %scan3A_159 : i32
    %scan3A_161 = arith.constant 1 : i32
    scf.for %scan3A_336 = %scan3A_158 to %scan3A_160 step %scan3A_161  : i32 {
      %mul3A_337 = arith.constant 16 : i32
      %mul3A_338 = arith.muli %scan3A_336, %mul3A_337 : i32
      %add3A_339 = vector.broadcast %mul3A_338 : i32 to vector<16xi32>
      %add3A_340 = arith.addi %add3A_339, %iota3A : vector<16xi32>
      %gather3A = tpu.vector_load_idx %arg9[%add3A_340] : memref<512xi32, #tpu.memory_space<vmem>>[vector<16xi32>], vector<16xi32>,
      %add3A_341 = arith.constant 0 : i32
      %add3A_342 = vector.broadcast %add3A_341 : i32 to vector<16xi32>
      %add3A_343 = arith.addi %gather3A, %add3A_342 : vector<16xi32>
      %gather3A_344 = tpu.vector_load_idx %arg12[%add3A_343] : memref<21xf32, #tpu.memory_space<vmem>>[vector<16xi32>], vector<16xf32>,
      %swap3A = arith.constant 16 : i32
      %swap3A_345 = arith.index_cast %swap3A : i32 to index
      %swap3A_346 = arith.index_cast %mul3A_338 : i32 to index
      %swap3A_347 = tpu.vector_load %arg11[%swap3A_345, %swap3A_346] {strides = array<i32>} : memref<28x512xf32, #tpu.memory_space<vmem>>, vector<16xf32>,
      tpu.vector_store %arg11[%swap3A_345, %swap3A_346], %gather3A_344 {strides = array<i32>} : memref<28x512xf32, #tpu.memory_space<vmem>>, vector<16xf32>,
      %add3A_348 = arith.constant 7 : i32
      %add3A_349 = vector.broadcast %add3A_348 : i32 to vector<16xi32>
      %add3A_350 = arith.addi %gather3A, %add3A_349 : vector<16xi32>
      %gather3A_351 = tpu.vector_load_idx %arg12[%add3A_350] : memref<21xf32, #tpu.memory_space<vmem>>[vector<16xi32>], vector<16xf32>,
      %swap3A_352 = arith.constant 17 : i32
      %swap3A_353 = arith.index_cast %swap3A_352 : i32 to index
      %swap3A_354 = arith.index_cast %mul3A_338 : i32 to index
      %swap3A_355 = tpu.vector_load %arg11[%swap3A_353, %swap3A_354] {strides = array<i32>} : memref<28x512xf32, #tpu.memory_space<vmem>>, vector<16xf32>,
      tpu.vector_store %arg11[%swap3A_353, %swap3A_354], %gather3A_351 {strides = array<i32>} : memref<28x512xf32, #tpu.memory_space<vmem>>, vector<16xf32>,
      %add3A_356 = arith.constant 14 : i32
      %add3A_357 = vector.broadcast %add3A_356 : i32 to vector<16xi32>
      %add3A_358 = arith.addi %gather3A, %add3A_357 : vector<16xi32>
      %gather3A_359 = tpu.vector_load_idx %arg12[%add3A_358] : memref<21xf32, #tpu.memory_space<vmem>>[vector<16xi32>], vector<16xf32>,
      %swap3A_360 = arith.constant 18 : i32
      %swap3A_361 = arith.index_cast %swap3A_360 : i32 to index
      %swap3A_362 = arith.index_cast %mul3A_338 : i32 to index
      %swap3A_363 = tpu.vector_load %arg11[%swap3A_361, %swap3A_362] {strides = array<i32>} : memref<28x512xf32, #tpu.memory_space<vmem>>, vector<16xf32>,
      tpu.vector_store %arg11[%swap3A_361, %swap3A_362], %gather3A_359 {strides = array<i32>} : memref<28x512xf32, #tpu.memory_space<vmem>>, vector<16xf32>,
      %gather3A_364 = tpu.vector_load_idx %arg10[%add3A_340] : memref<512xi32, #tpu.memory_space<vmem>>[vector<16xi32>], vector<16xi32>,
      %add3A_365 = arith.constant 0 : i32
      %add3A_366 = vector.broadcast %add3A_365 : i32 to vector<16xi32>
      %add3A_367 = arith.addi %gather3A_364, %add3A_366 : vector<16xi32>
      %gather3A_368 = tpu.vector_load_idx %arg13[%add3A_367] : memref<11520xf32, #tpu.memory_space<vmem>>[vector<16xi32>], vector<16xf32>,
      %swap3A_369 = arith.constant 19 : i32
      %swap3A_370 = arith.index_cast %swap3A_369 : i32 to index
      %swap3A_371 = arith.index_cast %mul3A_338 : i32 to index
      %swap3A_372 = tpu.vector_load %arg11[%swap3A_370, %swap3A_371] {strides = array<i32>} : memref<28x512xf32, #tpu.memory_space<vmem>>, vector<16xf32>,
      tpu.vector_store %arg11[%swap3A_370, %swap3A_371], %gather3A_368 {strides = array<i32>} : memref<28x512xf32, #tpu.memory_space<vmem>>, vector<16xf32>,
      %add3A_373 = arith.constant 1440 : i32
      %add3A_374 = vector.broadcast %add3A_373 : i32 to vector<16xi32>
      %add3A_375 = arith.addi %gather3A_364, %add3A_374 : vector<16xi32>
      %gather3A_376 = tpu.vector_load_idx %arg13[%add3A_375] : memref<11520xf32, #tpu.memory_space<vmem>>[vector<16xi32>], vector<16xf32>,
      %swap3A_377 = arith.constant 20 : i32
      %swap3A_378 = arith.index_cast %swap3A_377 : i32 to index
      %swap3A_379 = arith.index_cast %mul3A_338 : i32 to index
      %swap3A_380 = tpu.vector_load %arg11[%swap3A_378, %swap3A_379] {strides = array<i32>} : memref<28x512xf32, #tpu.memory_space<vmem>>, vector<16xf32>,
      tpu.vector_store %arg11[%swap3A_378, %swap3A_379], %gather3A_376 {strides = array<i32>} : memref<28x512xf32, #tpu.memory_space<vmem>>, vector<16xf32>,
      %add3A_381 = arith.constant 2880 : i32
      %add3A_382 = vector.broadcast %add3A_381 : i32 to vector<16xi32>
      %add3A_383 = arith.addi %gather3A_364, %add3A_382 : vector<16xi32>
      %gather3A_384 = tpu.vector_load_idx %arg13[%add3A_383] : memref<11520xf32, #tpu.memory_space<vmem>>[vector<16xi32>], vector<16xf32>,
      %swap3A_385 = arith.constant 21 : i32
      %swap3A_386 = arith.index_cast %swap3A_385 : i32 to index
      %swap3A_387 = arith.index_cast %mul3A_338 : i32 to index
      %swap3A_388 = tpu.vector_load %arg11[%swap3A_386, %swap3A_387] {strides = array<i32>} : memref<28x512xf32, #tpu.memory_space<vmem>>, vector<16xf32>,
      tpu.vector_store %arg11[%swap3A_386, %swap3A_387], %gather3A_384 {strides = array<i32>} : memref<28x512xf32, #tpu.memory_space<vmem>>, vector<16xf32>,
      %add3A_389 = arith.constant 4320 : i32
      %add3A_390 = vector.broadcast %add3A_389 : i32 to vector<16xi32>
      %add3A_391 = arith.addi %gather3A_364, %add3A_390 : vector<16xi32>
      %gather3A_392 = tpu.vector_load_idx %arg13[%add3A_391] : memref<11520xf32, #tpu.memory_space<vmem>>[vector<16xi32>], vector<16xf32>,
      %swap3A_393 = arith.constant 22 : i32
      %swap3A_394 = arith.index_cast %swap3A_393 : i32 to index
      %swap3A_395 = arith.index_cast %mul3A_338 : i32 to index
      %swap3A_396 = tpu.vector_load %arg11[%swap3A_394, %swap3A_395] {strides = array<i32>} : memref<28x512xf32, #tpu.memory_space<vmem>>, vector<16xf32>,
      tpu.vector_store %arg11[%swap3A_394, %swap3A_395], %gather3A_392 {strides = array<i32>} : memref<28x512xf32, #tpu.memory_space<vmem>>, vector<16xf32>,
      %add3A_397 = arith.constant 5760 : i32
      %add3A_398 = vector.broadcast %add3A_397 : i32 to vector<16xi32>
      %add3A_399 = arith.addi %gather3A_364, %add3A_398 : vector<16xi32>
      %gather3A_400 = tpu.vector_load_idx %arg13[%add3A_399] : memref<11520xf32, #tpu.memory_space<vmem>>[vector<16xi32>], vector<16xf32>,
      %swap3A_401 = arith.constant 23 : i32
      %swap3A_402 = arith.index_cast %swap3A_401 : i32 to index
      %swap3A_403 = arith.index_cast %mul3A_338 : i32 to index
      %swap3A_404 = tpu.vector_load %arg11[%swap3A_402, %swap3A_403] {strides = array<i32>} : memref<28x512xf32, #tpu.memory_space<vmem>>, vector<16xf32>,
      tpu.vector_store %arg11[%swap3A_402, %swap3A_403], %gather3A_400 {strides = array<i32>} : memref<28x512xf32, #tpu.memory_space<vmem>>, vector<16xf32>,
      %add3A_405 = arith.constant 7200 : i32
      %add3A_406 = vector.broadcast %add3A_405 : i32 to vector<16xi32>
      %add3A_407 = arith.addi %gather3A_364, %add3A_406 : vector<16xi32>
      %gather3A_408 = tpu.vector_load_idx %arg13[%add3A_407] : memref<11520xf32, #tpu.memory_space<vmem>>[vector<16xi32>], vector<16xf32>,
      %swap3A_409 = arith.constant 24 : i32
      %swap3A_410 = arith.index_cast %swap3A_409 : i32 to index
      %swap3A_411 = arith.index_cast %mul3A_338 : i32 to index
      %swap3A_412 = tpu.vector_load %arg11[%swap3A_410, %swap3A_411] {strides = array<i32>} : memref<28x512xf32, #tpu.memory_space<vmem>>, vector<16xf32>,
      tpu.vector_store %arg11[%swap3A_410, %swap3A_411], %gather3A_408 {strides = array<i32>} : memref<28x512xf32, #tpu.memory_space<vmem>>, vector<16xf32>,
      %add3A_413 = arith.constant 8640 : i32
      %add3A_414 = vector.broadcast %add3A_413 : i32 to vector<16xi32>
      %add3A_415 = arith.addi %gather3A_364, %add3A_414 : vector<16xi32>
      %gather3A_416 = tpu.vector_load_idx %arg13[%add3A_415] : memref<11520xf32, #tpu.memory_space<vmem>>[vector<16xi32>], vector<16xf32>,
      %swap3A_417 = arith.constant 25 : i32
      %swap3A_418 = arith.index_cast %swap3A_417 : i32 to index
      %swap3A_419 = arith.index_cast %mul3A_338 : i32 to index
      %swap3A_420 = tpu.vector_load %arg11[%swap3A_418, %swap3A_419] {strides = array<i32>} : memref<28x512xf32, #tpu.memory_space<vmem>>, vector<16xf32>,
      tpu.vector_store %arg11[%swap3A_418, %swap3A_419], %gather3A_416 {strides = array<i32>} : memref<28x512xf32, #tpu.memory_space<vmem>>, vector<16xf32>,
      %add3A_421 = arith.constant 10080 : i32
      %add3A_422 = vector.broadcast %add3A_421 : i32 to vector<16xi32>
      %add3A_423 = arith.addi %gather3A_364, %add3A_422 : vector<16xi32>
      %gather3A_424 = tpu.vector_load_idx %arg13[%add3A_423] : memref<11520xf32, #tpu.memory_space<vmem>>[vector<16xi32>], vector<16xf32>,
      %swap3A_425 = arith.constant 26 : i32
      %swap3A_426 = arith.index_cast %swap3A_425 : i32 to index
      %swap3A_427 = arith.index_cast %mul3A_338 : i32 to index
      %swap3A_428 = tpu.vector_load %arg11[%swap3A_426, %swap3A_427] {strides = array<i32>} : memref<28x512xf32, #tpu.memory_space<vmem>>, vector<16xf32>,
      tpu.vector_store %arg11[%swap3A_426, %swap3A_427], %gather3A_424 {strides = array<i32>} : memref<28x512xf32, #tpu.memory_space<vmem>>, vector<16xf32>,
    }
    %scan3A_162 = arith.constant 32 : i32
    %dma_start3A_163 = arith.constant 16 : i32
    %dma_start3A_164 = arith.constant 0 : i32
    %dma_start3A_165 = tpu.memref_slice %arg11[%dma_start3A_163, %dma_start3A_164] : memref<28x512xf32, #tpu.memory_space<vmem>> -> memref<12x512xf32, #tpu.memory_space<vmem>>
    %dma_start3A_166 = arith.constant 16 : i32
    %dma_start3A_167 = tpu.memref_slice %arg7[%dma_start3A_166, %mul3A_2] : memref<28x16384xf32, #tpu.memory_space<hbm>> -> memref<12x512xf32, #tpu.memory_space<hbm>>
    %dma_start3A_168 = arith.constant 16 : i32
    %dma_start3A_169 = tpu.memref_slice %arg7[%dma_start3A_168, %mul3A_2] : memref<28x16384xf32, #tpu.memory_space<hbm>> -> memref<12x512xf32, #tpu.memory_space<hbm>>
    %dma_start3A_170 = arith.constant 16 : i32
    %dma_start3A_171 = arith.constant 0 : i32
    %dma_start3A_172 = tpu.memref_slice %arg11[%dma_start3A_170, %dma_start3A_171] : memref<28x512xf32, #tpu.memory_space<vmem>> -> memref<12x512xf32, #tpu.memory_space<vmem>>
    tpu.enqueue_dma source(%dma_start3A_172 : memref<12x512xf32, #tpu.memory_space<vmem>>) target(%dma_start3A_169 : memref<12x512xf32, #tpu.memory_space<hbm>>) target_semaphore(%arg17 : memref<!tpu.dma_semaphore, #tpu.memory_space<semaphore_mem>>)
    %dma_wait3A = arith.constant 13 : i32
    %dma_wait3A_173 = arith.constant 0 : i32
    %dma_wait3A_174 = tpu.memref_slice %arg11[%dma_wait3A, %dma_wait3A_173] : memref<28x512xf32, #tpu.memory_space<vmem>> -> memref<1x512xf32, #tpu.memory_space<vmem>>
    %dma_wait3A_175 = tpu.memref_squeeze %dma_wait3A_174 : memref<1x512xf32, #tpu.memory_space<vmem>> -> memref<512xf32, #tpu.memory_space<vmem>>
    %dma_wait3A_176 = arith.constant 312000 : i32
    %dma_wait3A_177 = tpu.memref_slice %arg6[%dma_wait3A_176] : memref<395541xf32, #tpu.memory_space<hbm>> -> memref<24000xf32, #tpu.memory_space<hbm>>
    %dma_wait3A_178 = arith.constant 0 : i32
    %dma_wait3A_179 = tpu.memref_slice %dma_wait3A_177[%dma_wait3A_178] : memref<24000xf32, #tpu.memory_space<hbm>> -> memref<24000xf32, #tpu.memory_space<hbm>>
    tpu.wait_indirect_dma semaphore(%arg15 : memref<!tpu.dma_semaphore, #tpu.memory_space<semaphore_mem>>) src(%dma_wait3A_179 : memref<24000xf32, #tpu.memory_space<hbm>>) dst(%dma_wait3A_175 : memref<512xf32, #tpu.memory_space<vmem>>)
    %dma_wait3A_180 = arith.constant 14 : i32
    %dma_wait3A_181 = arith.constant 0 : i32
    %dma_wait3A_182 = tpu.memref_slice %arg11[%dma_wait3A_180, %dma_wait3A_181] : memref<28x512xf32, #tpu.memory_space<vmem>> -> memref<1x512xf32, #tpu.memory_space<vmem>>
    %dma_wait3A_183 = tpu.memref_squeeze %dma_wait3A_182 : memref<1x512xf32, #tpu.memory_space<vmem>> -> memref<512xf32, #tpu.memory_space<vmem>>
    %dma_wait3A_184 = arith.constant 336000 : i32
    %dma_wait3A_185 = tpu.memref_slice %arg6[%dma_wait3A_184] : memref<395541xf32, #tpu.memory_space<hbm>> -> memref<24000xf32, #tpu.memory_space<hbm>>
    %dma_wait3A_186 = arith.constant 0 : i32
    %dma_wait3A_187 = tpu.memref_slice %dma_wait3A_185[%dma_wait3A_186] : memref<24000xf32, #tpu.memory_space<hbm>> -> memref<24000xf32, #tpu.memory_space<hbm>>
    tpu.wait_indirect_dma semaphore(%arg15 : memref<!tpu.dma_semaphore, #tpu.memory_space<semaphore_mem>>) src(%dma_wait3A_187 : memref<24000xf32, #tpu.memory_space<hbm>>) dst(%dma_wait3A_183 : memref<512xf32, #tpu.memory_space<vmem>>)
    %dma_wait3A_188 = arith.constant 15 : i32
    %dma_wait3A_189 = arith.constant 0 : i32
    %dma_wait3A_190 = tpu.memref_slice %arg11[%dma_wait3A_188, %dma_wait3A_189] : memref<28x512xf32, #tpu.memory_space<vmem>> -> memref<1x512xf32, #tpu.memory_space<vmem>>
    %dma_wait3A_191 = tpu.memref_squeeze %dma_wait3A_190 : memref<1x512xf32, #tpu.memory_space<vmem>> -> memref<512xf32, #tpu.memory_space<vmem>>
    %dma_wait3A_192 = arith.constant 360000 : i32
    %dma_wait3A_193 = tpu.memref_slice %arg6[%dma_wait3A_192] : memref<395541xf32, #tpu.memory_space<hbm>> -> memref<24000xf32, #tpu.memory_space<hbm>>
    %dma_wait3A_194 = arith.constant 0 : i32
    %dma_wait3A_195 = tpu.memref_slice %dma_wait3A_193[%dma_wait3A_194] : memref<24000xf32, #tpu.memory_space<hbm>> -> memref<24000xf32, #tpu.memory_space<hbm>>
    tpu.wait_indirect_dma semaphore(%arg15 : memref<!tpu.dma_semaphore, #tpu.memory_space<semaphore_mem>>) src(%dma_wait3A_195 : memref<24000xf32, #tpu.memory_space<hbm>>) dst(%dma_wait3A_191 : memref<512xf32, #tpu.memory_space<vmem>>)
    %dma_wait3A_196 = arith.constant 0 : i32
    %dma_wait3A_197 = arith.constant 0 : i32
    %dma_wait3A_198 = arith.constant 0 : i32
    %dma_wait3A_199 = tpu.memref_slice %arg11[%dma_wait3A_197, %dma_wait3A_198] : memref<28x512xf32, #tpu.memory_space<vmem>> -> memref<1x512xf32, #tpu.memory_space<vmem>>
    %dma_wait3A_200 = tpu.memref_squeeze %dma_wait3A_199 : memref<1x512xf32, #tpu.memory_space<vmem>> -> memref<512xf32, #tpu.memory_space<vmem>>
    %dma_wait3A_201 = arith.constant 0 : i32
    %dma_wait3A_202 = tpu.memref_slice %arg14[%dma_wait3A_196, %dma_wait3A_201] : memref<13x24000xf32, #tpu.memory_space<vmem_shared>> -> memref<1x24000xf32, #tpu.memory_space<vmem_shared>>
    %dma_wait3A_203 = tpu.memref_squeeze %dma_wait3A_202 : memref<1x24000xf32, #tpu.memory_space<vmem_shared>> -> memref<24000xf32, #tpu.memory_space<vmem_shared>>
    %dma_wait3A_204 = arith.constant 0 : i32
    %dma_wait3A_205 = tpu.memref_slice %dma_wait3A_203[%dma_wait3A_204] : memref<24000xf32, #tpu.memory_space<vmem_shared>> -> memref<24000xf32, #tpu.memory_space<vmem_shared>>
    tpu.wait_indirect_dma semaphore(%arg16 : memref<!tpu.dma_semaphore, #tpu.memory_space<semaphore_mem>>) src(%dma_wait3A_205 : memref<24000xf32, #tpu.memory_space<vmem_shared>>) dst(%dma_wait3A_200 : memref<512xf32, #tpu.memory_space<vmem>>)
    %dma_wait3A_206 = arith.constant 1 : i32
    %dma_wait3A_207 = arith.constant 1 : i32
    %dma_wait3A_208 = arith.constant 0 : i32
    %dma_wait3A_209 = tpu.memref_slice %arg11[%dma_wait3A_207, %dma_wait3A_208] : memref<28x512xf32, #tpu.memory_space<vmem>> -> memref<1x512xf32, #tpu.memory_space<vmem>>
    %dma_wait3A_210 = tpu.memref_squeeze %dma_wait3A_209 : memref<1x512xf32, #tpu.memory_space<vmem>> -> memref<512xf32, #tpu.memory_space<vmem>>
    %dma_wait3A_211 = arith.constant 0 : i32
    %dma_wait3A_212 = tpu.memref_slice %arg14[%dma_wait3A_206, %dma_wait3A_211] : memref<13x24000xf32, #tpu.memory_space<vmem_shared>> -> memref<1x24000xf32, #tpu.memory_space<vmem_shared>>
    %dma_wait3A_213 = tpu.memref_squeeze %dma_wait3A_212 : memref<1x24000xf32, #tpu.memory_space<vmem_shared>> -> memref<24000xf32, #tpu.memory_space<vmem_shared>>
    %dma_wait3A_214 = arith.constant 0 : i32
    %dma_wait3A_215 = tpu.memref_slice %dma_wait3A_213[%dma_wait3A_214] : memref<24000xf32, #tpu.memory_space<vmem_shared>> -> memref<24000xf32, #tpu.memory_space<vmem_shared>>
    tpu.wait_indirect_dma semaphore(%arg16 : memref<!tpu.dma_semaphore, #tpu.memory_space<semaphore_mem>>) src(%dma_wait3A_215 : memref<24000xf32, #tpu.memory_space<vmem_shared>>) dst(%dma_wait3A_210 : memref<512xf32, #tpu.memory_space<vmem>>)
    %dma_wait3A_216 = arith.constant 2 : i32
    %dma_wait3A_217 = arith.constant 2 : i32
    %dma_wait3A_218 = arith.constant 0 : i32
    %dma_wait3A_219 = tpu.memref_slice %arg11[%dma_wait3A_217, %dma_wait3A_218] : memref<28x512xf32, #tpu.memory_space<vmem>> -> memref<1x512xf32, #tpu.memory_space<vmem>>
    %dma_wait3A_220 = tpu.memref_squeeze %dma_wait3A_219 : memref<1x512xf32, #tpu.memory_space<vmem>> -> memref<512xf32, #tpu.memory_space<vmem>>
    %dma_wait3A_221 = arith.constant 0 : i32
    %dma_wait3A_222 = tpu.memref_slice %arg14[%dma_wait3A_216, %dma_wait3A_221] : memref<13x24000xf32, #tpu.memory_space<vmem_shared>> -> memref<1x24000xf32, #tpu.memory_space<vmem_shared>>
    %dma_wait3A_223 = tpu.memref_squeeze %dma_wait3A_222 : memref<1x24000xf32, #tpu.memory_space<vmem_shared>> -> memref<24000xf32, #tpu.memory_space<vmem_shared>>
    %dma_wait3A_224 = arith.constant 0 : i32
    %dma_wait3A_225 = tpu.memref_slice %dma_wait3A_223[%dma_wait3A_224] : memref<24000xf32, #tpu.memory_space<vmem_shared>> -> memref<24000xf32, #tpu.memory_space<vmem_shared>>
    tpu.wait_indirect_dma semaphore(%arg16 : memref<!tpu.dma_semaphore, #tpu.memory_space<semaphore_mem>>) src(%dma_wait3A_225 : memref<24000xf32, #tpu.memory_space<vmem_shared>>) dst(%dma_wait3A_220 : memref<512xf32, #tpu.memory_space<vmem>>)
    %dma_wait3A_226 = arith.constant 3 : i32
    %dma_wait3A_227 = arith.constant 3 : i32
    %dma_wait3A_228 = arith.constant 0 : i32
    %dma_wait3A_229 = tpu.memref_slice %arg11[%dma_wait3A_227, %dma_wait3A_228] : memref<28x512xf32, #tpu.memory_space<vmem>> -> memref<1x512xf32, #tpu.memory_space<vmem>>
    %dma_wait3A_230 = tpu.memref_squeeze %dma_wait3A_229 : memref<1x512xf32, #tpu.memory_space<vmem>> -> memref<512xf32, #tpu.memory_space<vmem>>
    %dma_wait3A_231 = arith.constant 0 : i32
    %dma_wait3A_232 = tpu.memref_slice %arg14[%dma_wait3A_226, %dma_wait3A_231] : memref<13x24000xf32, #tpu.memory_space<vmem_shared>> -> memref<1x24000xf32, #tpu.memory_space<vmem_shared>>
    %dma_wait3A_233 = tpu.memref_squeeze %dma_wait3A_232 : memref<1x24000xf32, #tpu.memory_space<vmem_shared>> -> memref<24000xf32, #tpu.memory_space<vmem_shared>>
    %dma_wait3A_234 = arith.constant 0 : i32
    %dma_wait3A_235 = tpu.memref_slice %dma_wait3A_233[%dma_wait3A_234] : memref<24000xf32, #tpu.memory_space<vmem_shared>> -> memref<24000xf32, #tpu.memory_space<vmem_shared>>
    tpu.wait_indirect_dma semaphore(%arg16 : memref<!tpu.dma_semaphore, #tpu.memory_space<semaphore_mem>>) src(%dma_wait3A_235 : memref<24000xf32, #tpu.memory_space<vmem_shared>>) dst(%dma_wait3A_230 : memref<512xf32, #tpu.memory_space<vmem>>)
    %dma_wait3A_236 = arith.constant 4 : i32
    %dma_wait3A_237 = arith.constant 4 : i32
    %dma_wait3A_238 = arith.constant 0 : i32
    %dma_wait3A_239 = tpu.memref_slice %arg11[%dma_wait3A_237, %dma_wait3A_238] : memref<28x512xf32, #tpu.memory_space<vmem>> -> memref<1x512xf32, #tpu.memory_space<vmem>>
    %dma_wait3A_240 = tpu.memref_squeeze %dma_wait3A_239 : memref<1x512xf32, #tpu.memory_space<vmem>> -> memref<512xf32, #tpu.memory_space<vmem>>
    %dma_wait3A_241 = arith.constant 0 : i32
    %dma_wait3A_242 = tpu.memref_slice %arg14[%dma_wait3A_236, %dma_wait3A_241] : memref<13x24000xf32, #tpu.memory_space<vmem_shared>> -> memref<1x24000xf32, #tpu.memory_space<vmem_shared>>
    %dma_wait3A_243 = tpu.memref_squeeze %dma_wait3A_242 : memref<1x24000xf32, #tpu.memory_space<vmem_shared>> -> memref<24000xf32, #tpu.memory_space<vmem_shared>>
    %dma_wait3A_244 = arith.constant 0 : i32
    %dma_wait3A_245 = tpu.memref_slice %dma_wait3A_243[%dma_wait3A_244] : memref<24000xf32, #tpu.memory_space<vmem_shared>> -> memref<24000xf32, #tpu.memory_space<vmem_shared>>
    tpu.wait_indirect_dma semaphore(%arg16 : memref<!tpu.dma_semaphore, #tpu.memory_space<semaphore_mem>>) src(%dma_wait3A_245 : memref<24000xf32, #tpu.memory_space<vmem_shared>>) dst(%dma_wait3A_240 : memref<512xf32, #tpu.memory_space<vmem>>)
    %dma_wait3A_246 = arith.constant 5 : i32
    %dma_wait3A_247 = arith.constant 5 : i32
    %dma_wait3A_248 = arith.constant 0 : i32
    %dma_wait3A_249 = tpu.memref_slice %arg11[%dma_wait3A_247, %dma_wait3A_248] : memref<28x512xf32, #tpu.memory_space<vmem>> -> memref<1x512xf32, #tpu.memory_space<vmem>>
    %dma_wait3A_250 = tpu.memref_squeeze %dma_wait3A_249 : memref<1x512xf32, #tpu.memory_space<vmem>> -> memref<512xf32, #tpu.memory_space<vmem>>
    %dma_wait3A_251 = arith.constant 0 : i32
    %dma_wait3A_252 = tpu.memref_slice %arg14[%dma_wait3A_246, %dma_wait3A_251] : memref<13x24000xf32, #tpu.memory_space<vmem_shared>> -> memref<1x24000xf32, #tpu.memory_space<vmem_shared>>
    %dma_wait3A_253 = tpu.memref_squeeze %dma_wait3A_252 : memref<1x24000xf32, #tpu.memory_space<vmem_shared>> -> memref<24000xf32, #tpu.memory_space<vmem_shared>>
    %dma_wait3A_254 = arith.constant 0 : i32
    %dma_wait3A_255 = tpu.memref_slice %dma_wait3A_253[%dma_wait3A_254] : memref<24000xf32, #tpu.memory_space<vmem_shared>> -> memref<24000xf32, #tpu.memory_space<vmem_shared>>
    tpu.wait_indirect_dma semaphore(%arg16 : memref<!tpu.dma_semaphore, #tpu.memory_space<semaphore_mem>>) src(%dma_wait3A_255 : memref<24000xf32, #tpu.memory_space<vmem_shared>>) dst(%dma_wait3A_250 : memref<512xf32, #tpu.memory_space<vmem>>)
    %dma_wait3A_256 = arith.constant 6 : i32
    %dma_wait3A_257 = arith.constant 6 : i32
    %dma_wait3A_258 = arith.constant 0 : i32
    %dma_wait3A_259 = tpu.memref_slice %arg11[%dma_wait3A_257, %dma_wait3A_258] : memref<28x512xf32, #tpu.memory_space<vmem>> -> memref<1x512xf32, #tpu.memory_space<vmem>>
    %dma_wait3A_260 = tpu.memref_squeeze %dma_wait3A_259 : memref<1x512xf32, #tpu.memory_space<vmem>> -> memref<512xf32, #tpu.memory_space<vmem>>
    %dma_wait3A_261 = arith.constant 0 : i32
    %dma_wait3A_262 = tpu.memref_slice %arg14[%dma_wait3A_256, %dma_wait3A_261] : memref<13x24000xf32, #tpu.memory_space<vmem_shared>> -> memref<1x24000xf32, #tpu.memory_space<vmem_shared>>
    %dma_wait3A_263 = tpu.memref_squeeze %dma_wait3A_262 : memref<1x24000xf32, #tpu.memory_space<vmem_shared>> -> memref<24000xf32, #tpu.memory_space<vmem_shared>>
    %dma_wait3A_264 = arith.constant 0 : i32
    %dma_wait3A_265 = tpu.memref_slice %dma_wait3A_263[%dma_wait3A_264] : memref<24000xf32, #tpu.memory_space<vmem_shared>> -> memref<24000xf32, #tpu.memory_space<vmem_shared>>
    tpu.wait_indirect_dma semaphore(%arg16 : memref<!tpu.dma_semaphore, #tpu.memory_space<semaphore_mem>>) src(%dma_wait3A_265 : memref<24000xf32, #tpu.memory_space<vmem_shared>>) dst(%dma_wait3A_260 : memref<512xf32, #tpu.memory_space<vmem>>)
    %dma_wait3A_266 = arith.constant 7 : i32
    %dma_wait3A_267 = arith.constant 7 : i32
    %dma_wait3A_268 = arith.constant 0 : i32
    %dma_wait3A_269 = tpu.memref_slice %arg11[%dma_wait3A_267, %dma_wait3A_268] : memref<28x512xf32, #tpu.memory_space<vmem>> -> memref<1x512xf32, #tpu.memory_space<vmem>>
    %dma_wait3A_270 = tpu.memref_squeeze %dma_wait3A_269 : memref<1x512xf32, #tpu.memory_space<vmem>> -> memref<512xf32, #tpu.memory_space<vmem>>
    %dma_wait3A_271 = arith.constant 0 : i32
    %dma_wait3A_272 = tpu.memref_slice %arg14[%dma_wait3A_266, %dma_wait3A_271] : memref<13x24000xf32, #tpu.memory_space<vmem_shared>> -> memref<1x24000xf32, #tpu.memory_space<vmem_shared>>
    %dma_wait3A_273 = tpu.memref_squeeze %dma_wait3A_272 : memref<1x24000xf32, #tpu.memory_space<vmem_shared>> -> memref<24000xf32, #tpu.memory_space<vmem_shared>>
    %dma_wait3A_274 = arith.constant 0 : i32
    %dma_wait3A_275 = tpu.memref_slice %dma_wait3A_273[%dma_wait3A_274] : memref<24000xf32, #tpu.memory_space<vmem_shared>> -> memref<24000xf32, #tpu.memory_space<vmem_shared>>
    tpu.wait_indirect_dma semaphore(%arg16 : memref<!tpu.dma_semaphore, #tpu.memory_space<semaphore_mem>>) src(%dma_wait3A_275 : memref<24000xf32, #tpu.memory_space<vmem_shared>>) dst(%dma_wait3A_270 : memref<512xf32, #tpu.memory_space<vmem>>)
    %dma_wait3A_276 = arith.constant 8 : i32
    %dma_wait3A_277 = arith.constant 8 : i32
    %dma_wait3A_278 = arith.constant 0 : i32
    %dma_wait3A_279 = tpu.memref_slice %arg11[%dma_wait3A_277, %dma_wait3A_278] : memref<28x512xf32, #tpu.memory_space<vmem>> -> memref<1x512xf32, #tpu.memory_space<vmem>>
    %dma_wait3A_280 = tpu.memref_squeeze %dma_wait3A_279 : memref<1x512xf32, #tpu.memory_space<vmem>> -> memref<512xf32, #tpu.memory_space<vmem>>
    %dma_wait3A_281 = arith.constant 0 : i32
    %dma_wait3A_282 = tpu.memref_slice %arg14[%dma_wait3A_276, %dma_wait3A_281] : memref<13x24000xf32, #tpu.memory_space<vmem_shared>> -> memref<1x24000xf32, #tpu.memory_space<vmem_shared>>
    %dma_wait3A_283 = tpu.memref_squeeze %dma_wait3A_282 : memref<1x24000xf32, #tpu.memory_space<vmem_shared>> -> memref<24000xf32, #tpu.memory_space<vmem_shared>>
    %dma_wait3A_284 = arith.constant 0 : i32
    %dma_wait3A_285 = tpu.memref_slice %dma_wait3A_283[%dma_wait3A_284] : memref<24000xf32, #tpu.memory_space<vmem_shared>> -> memref<24000xf32, #tpu.memory_space<vmem_shared>>
    tpu.wait_indirect_dma semaphore(%arg16 : memref<!tpu.dma_semaphore, #tpu.memory_space<semaphore_mem>>) src(%dma_wait3A_285 : memref<24000xf32, #tpu.memory_space<vmem_shared>>) dst(%dma_wait3A_280 : memref<512xf32, #tpu.memory_space<vmem>>)
    %dma_wait3A_286 = arith.constant 9 : i32
    %dma_wait3A_287 = arith.constant 9 : i32
    %dma_wait3A_288 = arith.constant 0 : i32
    %dma_wait3A_289 = tpu.memref_slice %arg11[%dma_wait3A_287, %dma_wait3A_288] : memref<28x512xf32, #tpu.memory_space<vmem>> -> memref<1x512xf32, #tpu.memory_space<vmem>>
    %dma_wait3A_290 = tpu.memref_squeeze %dma_wait3A_289 : memref<1x512xf32, #tpu.memory_space<vmem>> -> memref<512xf32, #tpu.memory_space<vmem>>
    %dma_wait3A_291 = arith.constant 0 : i32
    %dma_wait3A_292 = tpu.memref_slice %arg14[%dma_wait3A_286, %dma_wait3A_291] : memref<13x24000xf32, #tpu.memory_space<vmem_shared>> -> memref<1x24000xf32, #tpu.memory_space<vmem_shared>>
    %dma_wait3A_293 = tpu.memref_squeeze %dma_wait3A_292 : memref<1x24000xf32, #tpu.memory_space<vmem_shared>> -> memref<24000xf32, #tpu.memory_space<vmem_shared>>
    %dma_wait3A_294 = arith.constant 0 : i32
    %dma_wait3A_295 = tpu.memref_slice %dma_wait3A_293[%dma_wait3A_294] : memref<24000xf32, #tpu.memory_space<vmem_shared>> -> memref<24000xf32, #tpu.memory_space<vmem_shared>>
    tpu.wait_indirect_dma semaphore(%arg16 : memref<!tpu.dma_semaphore, #tpu.memory_space<semaphore_mem>>) src(%dma_wait3A_295 : memref<24000xf32, #tpu.memory_space<vmem_shared>>) dst(%dma_wait3A_290 : memref<512xf32, #tpu.memory_space<vmem>>)
    %dma_wait3A_296 = arith.constant 10 : i32
    %dma_wait3A_297 = arith.constant 10 : i32
    %dma_wait3A_298 = arith.constant 0 : i32
    %dma_wait3A_299 = tpu.memref_slice %arg11[%dma_wait3A_297, %dma_wait3A_298] : memref<28x512xf32, #tpu.memory_space<vmem>> -> memref<1x512xf32, #tpu.memory_space<vmem>>
    %dma_wait3A_300 = tpu.memref_squeeze %dma_wait3A_299 : memref<1x512xf32, #tpu.memory_space<vmem>> -> memref<512xf32, #tpu.memory_space<vmem>>
    %dma_wait3A_301 = arith.constant 0 : i32
    %dma_wait3A_302 = tpu.memref_slice %arg14[%dma_wait3A_296, %dma_wait3A_301] : memref<13x24000xf32, #tpu.memory_space<vmem_shared>> -> memref<1x24000xf32, #tpu.memory_space<vmem_shared>>
    %dma_wait3A_303 = tpu.memref_squeeze %dma_wait3A_302 : memref<1x24000xf32, #tpu.memory_space<vmem_shared>> -> memref<24000xf32, #tpu.memory_space<vmem_shared>>
    %dma_wait3A_304 = arith.constant 0 : i32
    %dma_wait3A_305 = tpu.memref_slice %dma_wait3A_303[%dma_wait3A_304] : memref<24000xf32, #tpu.memory_space<vmem_shared>> -> memref<24000xf32, #tpu.memory_space<vmem_shared>>
    tpu.wait_indirect_dma semaphore(%arg16 : memref<!tpu.dma_semaphore, #tpu.memory_space<semaphore_mem>>) src(%dma_wait3A_305 : memref<24000xf32, #tpu.memory_space<vmem_shared>>) dst(%dma_wait3A_300 : memref<512xf32, #tpu.memory_space<vmem>>)
    %dma_wait3A_306 = arith.constant 11 : i32
    %dma_wait3A_307 = arith.constant 11 : i32
    %dma_wait3A_308 = arith.constant 0 : i32
    %dma_wait3A_309 = tpu.memref_slice %arg11[%dma_wait3A_307, %dma_wait3A_308] : memref<28x512xf32, #tpu.memory_space<vmem>> -> memref<1x512xf32, #tpu.memory_space<vmem>>
    %dma_wait3A_310 = tpu.memref_squeeze %dma_wait3A_309 : memref<1x512xf32, #tpu.memory_space<vmem>> -> memref<512xf32, #tpu.memory_space<vmem>>
    %dma_wait3A_311 = arith.constant 0 : i32
    %dma_wait3A_312 = tpu.memref_slice %arg14[%dma_wait3A_306, %dma_wait3A_311] : memref<13x24000xf32, #tpu.memory_space<vmem_shared>> -> memref<1x24000xf32, #tpu.memory_space<vmem_shared>>
    %dma_wait3A_313 = tpu.memref_squeeze %dma_wait3A_312 : memref<1x24000xf32, #tpu.memory_space<vmem_shared>> -> memref<24000xf32, #tpu.memory_space<vmem_shared>>
    %dma_wait3A_314 = arith.constant 0 : i32
    %dma_wait3A_315 = tpu.memref_slice %dma_wait3A_313[%dma_wait3A_314] : memref<24000xf32, #tpu.memory_space<vmem_shared>> -> memref<24000xf32, #tpu.memory_space<vmem_shared>>
    tpu.wait_indirect_dma semaphore(%arg16 : memref<!tpu.dma_semaphore, #tpu.memory_space<semaphore_mem>>) src(%dma_wait3A_315 : memref<24000xf32, #tpu.memory_space<vmem_shared>>) dst(%dma_wait3A_310 : memref<512xf32, #tpu.memory_space<vmem>>)
    %dma_wait3A_316 = arith.constant 12 : i32
    %dma_wait3A_317 = arith.constant 12 : i32
    %dma_wait3A_318 = arith.constant 0 : i32
    %dma_wait3A_319 = tpu.memref_slice %arg11[%dma_wait3A_317, %dma_wait3A_318] : memref<28x512xf32, #tpu.memory_space<vmem>> -> memref<1x512xf32, #tpu.memory_space<vmem>>
    %dma_wait3A_320 = tpu.memref_squeeze %dma_wait3A_319 : memref<1x512xf32, #tpu.memory_space<vmem>> -> memref<512xf32, #tpu.memory_space<vmem>>
    %dma_wait3A_321 = arith.constant 0 : i32
    %dma_wait3A_322 = tpu.memref_slice %arg14[%dma_wait3A_316, %dma_wait3A_321] : memref<13x24000xf32, #tpu.memory_space<vmem_shared>> -> memref<1x24000xf32, #tpu.memory_space<vmem_shared>>
    %dma_wait3A_323 = tpu.memref_squeeze %dma_wait3A_322 : memref<1x24000xf32, #tpu.memory_space<vmem_shared>> -> memref<24000xf32, #tpu.memory_space<vmem_shared>>
    %dma_wait3A_324 = arith.constant 0 : i32
    %dma_wait3A_325 = tpu.memref_slice %dma_wait3A_323[%dma_wait3A_324] : memref<24000xf32, #tpu.memory_space<vmem_shared>> -> memref<24000xf32, #tpu.memory_space<vmem_shared>>
    tpu.wait_indirect_dma semaphore(%arg16 : memref<!tpu.dma_semaphore, #tpu.memory_space<semaphore_mem>>) src(%dma_wait3A_325 : memref<24000xf32, #tpu.memory_space<vmem_shared>>) dst(%dma_wait3A_320 : memref<512xf32, #tpu.memory_space<vmem>>)
    %dma_wait3A_326 = arith.constant 16 : i32
    %dma_wait3A_327 = arith.constant 0 : i32
    %dma_wait3A_328 = tpu.memref_slice %arg11[%dma_wait3A_326, %dma_wait3A_327] : memref<28x512xf32, #tpu.memory_space<vmem>> -> memref<12x512xf32, #tpu.memory_space<vmem>>
    %dma_wait3A_329 = arith.constant 16 : i32
    %dma_wait3A_330 = tpu.memref_slice %arg7[%dma_wait3A_329, %mul3A_2] : memref<28x16384xf32, #tpu.memory_space<hbm>> -> memref<12x512xf32, #tpu.memory_space<hbm>>
    %dma_wait3A_331 = arith.constant 16 : i32
    %dma_wait3A_332 = tpu.memref_slice %arg7[%dma_wait3A_331, %mul3A_2] : memref<28x16384xf32, #tpu.memory_space<hbm>> -> memref<12x512xf32, #tpu.memory_space<hbm>>
    %dma_wait3A_333 = arith.constant 16 : i32
    %dma_wait3A_334 = arith.constant 0 : i32
    %dma_wait3A_335 = tpu.memref_slice %arg11[%dma_wait3A_333, %dma_wait3A_334] : memref<28x512xf32, #tpu.memory_space<vmem>> -> memref<12x512xf32, #tpu.memory_space<vmem>>
    tpu.wait_dma2 semaphore(%arg17 : memref<!tpu.dma_semaphore, #tpu.memory_space<semaphore_mem>>) src(%dma_wait3A_335 : memref<12x512xf32, #tpu.memory_space<vmem>>) dst(%dma_wait3A_332 : memref<12x512xf32, #tpu.memory_space<hbm>>)
    "tpu.region"() ({
      %run_scoped3A_336 = tpu.sem_alloc : memref<!tpu.dma_semaphore, #tpu.memory_space<semaphore_mem>>
      %dma_start3A_337 = arith.constant 0 : i32
      %dma_start3A_338 = arith.constant 0 : i32
      %dma_start3A_339 = tpu.memref_slice %arg11[%dma_start3A_337, %dma_start3A_338] : memref<28x512xf32, #tpu.memory_space<vmem>> -> memref<16x512xf32, #tpu.memory_space<vmem>>
      %dma_start3A_340 = arith.constant 0 : i32
      %dma_start3A_341 = tpu.memref_slice %arg7[%dma_start3A_340, %mul3A_2] : memref<28x16384xf32, #tpu.memory_space<hbm>> -> memref<16x512xf32, #tpu.memory_space<hbm>>
      %dma_start3A_342 = arith.constant 0 : i32
      %dma_start3A_343 = tpu.memref_slice %arg7[%dma_start3A_342, %mul3A_2] : memref<28x16384xf32, #tpu.memory_space<hbm>> -> memref<16x512xf32, #tpu.memory_space<hbm>>
      %dma_start3A_344 = arith.constant 0 : i32
      %dma_start3A_345 = arith.constant 0 : i32
      %dma_start3A_346 = tpu.memref_slice %arg11[%dma_start3A_344, %dma_start3A_345] : memref<28x512xf32, #tpu.memory_space<vmem>> -> memref<16x512xf32, #tpu.memory_space<vmem>>
      tpu.enqueue_dma source(%dma_start3A_346 : memref<16x512xf32, #tpu.memory_space<vmem>>) target(%dma_start3A_343 : memref<16x512xf32, #tpu.memory_space<hbm>>) target_semaphore(%run_scoped3A_336 : memref<!tpu.dma_semaphore, #tpu.memory_space<semaphore_mem>>)
      %dma_wait3A_347 = arith.constant 0 : i32
      %dma_wait3A_348 = arith.constant 0 : i32
      %dma_wait3A_349 = tpu.memref_slice %arg11[%dma_wait3A_347, %dma_wait3A_348] : memref<28x512xf32, #tpu.memory_space<vmem>> -> memref<16x512xf32, #tpu.memory_space<vmem>>
      %dma_wait3A_350 = arith.constant 0 : i32
      %dma_wait3A_351 = tpu.memref_slice %arg7[%dma_wait3A_350, %mul3A_2] : memref<28x16384xf32, #tpu.memory_space<hbm>> -> memref<16x512xf32, #tpu.memory_space<hbm>>
      %dma_wait3A_352 = arith.constant 0 : i32
      %dma_wait3A_353 = tpu.memref_slice %arg7[%dma_wait3A_352, %mul3A_2] : memref<28x16384xf32, #tpu.memory_space<hbm>> -> memref<16x512xf32, #tpu.memory_space<hbm>>
      %dma_wait3A_354 = arith.constant 0 : i32
      %dma_wait3A_355 = arith.constant 0 : i32
      %dma_wait3A_356 = tpu.memref_slice %arg11[%dma_wait3A_354, %dma_wait3A_355] : memref<28x512xf32, #tpu.memory_space<vmem>> -> memref<16x512xf32, #tpu.memory_space<vmem>>
      tpu.wait_dma2 semaphore(%run_scoped3A_336 : memref<!tpu.dma_semaphore, #tpu.memory_space<semaphore_mem>>) src(%dma_wait3A_356 : memref<16x512xf32, #tpu.memory_space<vmem>>) dst(%dma_wait3A_353 : memref<16x512xf32, #tpu.memory_space<hbm>>)
      tpu.yield
    }) : () -> ()
    return
  }
}

</mosaic_0001>

<sc_bundles>
// kernel: _run.3.cloned.1.call-start
scs
__scs_entry_jumppad:
0x0: {  	(pc) =	sbr.rel $0x88, $3  }
0x1: {  	(tag) =	ssettag $0x0;
	lr =	simm.s32 $0x1  }
0x2: {  	[smem:$0x3F9C] =	sst lr;
	_ =	strace $0xD0000000  }
0x3: {  	_ = 	snop  }
0x4: {  	_ = 	snop  }
0x5: {  	_ = 	snop  }
0x6: {  	_ = 	snop  }
0x7: {  	_ = 	snop  }
__scs_overlays_trampoline_lowered:
0x8: {  	[smem:$0x3FAB] =	sst s0  }
0x9: {  	[smem:$0x3FAC] =	sst s1  }
0xa: {  	[smem:$0x3FAD] =	sst s2  }
0xb: {  	[smem:$0x3FAE] =	sst s3  }
0xc: {  	[smem:$0x3FAF] =	sst s4  }
0xd: {  	[smem:$0x3FB0] =	sst s5  }
0xe: {  	[smem:$0x3FB1] =	sst s6  }
0xf: {  	[smem:$0x3FB2] =	sst s7  }
0x10: {  	[smem:$0x3FB3] =	sst s8  }
0x11: {  	[smem:$0x3FB4] =	sst s9;
	s0 =	simm.s32 @!p0 $0x0  }
0x12: {  	s1 =	sld [smem:$0x3F9A];
	s0 =	simm.s32 @p0 $0x1  }
0x13: {  	[smem:$0x3FB5] =	sst s0;
	s0 =	simm.s32 @!p1 $0x0  }
0x14: {  	s2 =	sld [smem:$0x3F99];
	s0 =	simm.s32 @p1 $0x1  }
0x15: {  	[smem:$0x3FB6] =	sst s0;
	s0 =	simm.s32 @!p2 $0x0  }
0x16: {  	s3 =	sld [smem:$0x3FDB];
	s0 =	simm.s32 @p2 $0x1  }
0x17: {  	s4 =	simm.s32 $0x1BF5;
	[smem:$0x3FB8] =	sst s0  }
0x18: {  	s0 =	sld [smem:$0x3F9B];
	_ =	swait.ge [sflag:s4], $0x0  }
0x19: {  	s7 =	sld [smem:$0x3F9C]  }
0x1a: {  	s8 =	sadd.s32 $0xFFFFE003, lr  }
0x1b: {  	s9 =	sadd.s32 $0xFFFFFEF7, lr;
	s5 =	simm.s32 $0xFFFFFFFF;
	p2 =	slt.u32 s8, $0xFFFFF086  }
0x1c: {  	p1 =	slt.u32 s9, $0xF7A;
	s5 =	simm.s32 @!p2 $0x0  }
0x1d: {  	s5 =	simm.s32 @p1 $0x1;
	p0 =	seq.s32 s7, s2  }
0x1e: {  	s7 =	smul.u32 @!p0 $0xF7A, s2;
	p2 =	seq.s32 @!p0 s5, $0x0  }
0x1f: {  	s9 =	smul.u32 $0xF7A, s1;
	s8 =	simm.s32 @!p0 $0x1BF5;
	p2 =	por !p2, p0  }
0x20: {  	[sflag:s8] =	ssyncset.s32 @!p0 $0xFFFFF086;
	s6 =	sadd.s32 @!p0 s3, s7;
	s7 =	simm.s32 @!p0 $0x108  }
0x21: {  	s3 =	sadd.s32 s3, s9;
	s6 =	sadd.s32 @!p0 $0x88, s6;
	s7 =	simm.s32 @p2 $0x1082  }
0x22: {  	[simem:s7], [sflag:s8] =	dma.local @!p0 [hbm:s6], $0xF7A  }
0x23: {  	s9 =	sor.u32 $0xD0000000, s2;
	s6 =	simm.s32 $0x108;
	_ =	swait.ge @!p0 [sflag:s8], $0x0  }
0x24: {  	s3 =	sadd.s32 $0x88, s3;
	s6 =	simm.s32 @!p1 $0x1082;
	[sflag:s4] =	ssyncset.s32 $0xFFFFF086  }
0x25: {  	[simem:s6], [sflag:s4] =	dma.local [hbm:s3], $0xF7A  }
0x26: {  	[smem:$0x3F9C] =	sst s1;
	(tag) =	ssettag s2;
	_ =	strace s9  }
0x27: {  	s1 =	sld [smem:$0x3FAC]  }
0x28: {  	s2 =	sld [smem:$0x3FAD]  }
0x29: {  	s4 =	sld [smem:$0x3FAF]  }
0x2a: {  	p0 =	seq.s32 s5, $0x0;
	s5 =	sld [smem:$0x3FB0]  }
0x2b: {  	s6 =	sld [smem:$0x3FB1]  }
0x2c: {  	s7 =	sld [smem:$0x3FB2]  }
0x2d: {  	s3 =	simm.s32 $0x108;
	s8 =	sld [smem:$0x3FB3]  }
0x2e: {  	s3 =	simm.s32 @!p0 $0x1082;
	s9 =	sld [smem:$0x3FB4]  }
0x2f: {  	lr =	sadd.s32 s0, s3;
	s0 =	sld [smem:$0x3FAB]  }
0x30: {  	s3 =	sld [smem:$0x3FAE]  }
0x31: {  	[smem:$0x3FB7] =	sst s10  }
0x32: {  	s10 =	sld [smem:$0x3FB5];
	_ =	sdelay $0x3  }
0x33: {  	p0 =	seq.s32 s10, $0x1;
	s10 =	sld [smem:$0x3FB7];
	_ =	sdelay $0x3  }
0x34: {  	[smem:$0x3FB7] =	sst s10  }
0x35: {  	s10 =	sld [smem:$0x3FB6];
	_ =	sdelay $0x3  }
0x36: {  	p1 =	seq.s32 s10, $0x1;
	s10 =	sld [smem:$0x3FB7];
	_ =	sdelay $0x3  }
0x37: {  	[smem:$0x3FB7] =	sst s10  }
0x38: {  	s10 =	sld [smem:$0x3FB8]  }
0x39: {  	_ = 	snop;
	(pc) =	sbr.ind lr, $3  }
0x3a: {  	_ = 	snop  }
0x3b: {  	_ = 	snop  }
0x3c: {  	p2 =	seq.s32 s10, $0x1;
	s10 =	sld [smem:$0x3FB7]  }
0x3d: {  	_ =	shalt  }
0x3e: {  	_ =	shalt  }
0x3f: {  	_ =	shalt  }
0x40: {  	_ =	shalt  }
0x41: {  	_ =	shalt  }
0x42: {  	_ =	shalt  }
0x43: {  	_ =	shalt  }
0x44: {  	_ =	shalt  }
0x45: {  	_ =	shalt  }
0x46: {  	_ =	shalt  }
0x47: {  	_ =	shalt  }
0x48: {  	_ =	shalt  }
0x49: {  	_ =	shalt  }
0x4a: {  	_ =	shalt  }
0x4b: {  	_ =	shalt  }
0x4c: {  	_ =	shalt  }
0x4d: {  	_ =	shalt  }
0x4e: {  	_ =	shalt  }
0x4f: {  	_ =	shalt  }
0x50: {  	_ =	shalt  }
0x51: {  	_ =	shalt  }
0x52: {  	_ =	shalt  }
0x53: {  	_ =	shalt  }
0x54: {  	_ =	shalt  }
0x55: {  	_ =	shalt  }
0x56: {  	_ =	shalt  }
0x57: {  	_ =	shalt  }
0x58: {  	_ =	shalt  }
0x59: {  	_ =	shalt  }
0x5a: {  	_ =	shalt  }
0x5b: {  	_ =	shalt  }
0x5c: {  	_ =	shalt  }
0x5d: {  	_ =	shalt  }
0x5e: {  	_ =	shalt  }
0x5f: {  	_ =	shalt  }
0x60: {  	_ =	shalt  }
0x61: {  	_ =	shalt  }
0x62: {  	_ =	shalt  }
0x63: {  	_ =	shalt  }
0x64: {  	_ =	shalt  }
0x65: {  	_ =	shalt  }
0x66: {  	_ =	shalt  }
0x67: {  	_ =	shalt  }
0x68: {  	_ =	shalt  }
0x69: {  	_ =	shalt  }
0x6a: {  	_ =	shalt  }
0x6b: {  	_ =	shalt  }
0x6c: {  	_ =	shalt  }
0x6d: {  	_ =	shalt  }
0x6e: {  	_ =	shalt  }
0x6f: {  	_ =	shalt  }
0x70: {  	_ =	shalt  }
0x71: {  	_ =	shalt  }
0x72: {  	_ =	shalt  }
0x73: {  	_ =	shalt  }
0x74: {  	_ =	shalt  }
0x75: {  	_ =	shalt  }
0x76: {  	_ =	shalt  }
0x77: {  	_ =	shalt  }
0x78: {  	_ =	shalt  }
0x79: {  	_ =	shalt  }
0x7a: {  	_ =	shalt  }
0x7b: {  	_ =	shalt  }
0x7c: {  	_ =	shalt  }
0x7d: {  	_ =	shalt  }
0x7e: {  	_ =	shalt  }
0x7f: {  	_ =	shalt  }
0x80: {  	_ =	shalt  }
0x81: {  	_ =	shalt  }
0x82: {  	_ =	shalt  }
0x83: {  	_ =	shalt  }
0x84: {  	_ =	shalt  }
0x85: {  	_ =	shalt  }
0x86: {  	_ =	shalt  }
0x87: {  	_ =	shalt  }
.Lfunc_end0:
.L_simem_size_0:
called_computation_lowered:
.L_overlay_start_0:
0x88: {  	s2 =	sld [smem:$0x3FD9]  }
0x89: {  	s3 =	sld [smem:$0x3FFE];
	_ =	sdelay $0x1  }
0x8a: {  	s1 =	srdreg.scid  }
0x8b: {  	s0 =	sand.u32 $0x1, s1  }
0x8c: {  	s17 =	sshll.u32 s0, $0xA;
	s2 =	sadd.s32 s3, s2  }
0x8d: {  	s2 =	sadd.s32 s2, s17  }
0x8e: {  	[smem:$0x3FC3] =	sst s2  }
0x8f: {  	_ = 	snop  }
0x90: {  	s2 =	sld [smem:$0x3FC9]  }
0x91: {  	s18 =	sld [smem:$0x3FC8]  }
0x92: {  	s4 =	sld [smem:$0x3FC7]  }
0x93: {  	s5 =	sld [smem:$0x3FC6]  }
0x94: {  	s6 =	sld [smem:$0x3FC5];
	(tm) =	ssettm $0x1  }
0x95: {  	s7 =	sld [smem:$0x3FFB];
	_ =	sdelay $0x3  }
0x96: {  	_ =	strace s7  }
0x97: {  	s7 =	sld [smem:$0x3FFC];
	_ =	sdelay $0x3  }
0x98: {  	_ =	strace s7  }
0x99: {  	s7 =	sld [smem:$0x3FFD];
	_ =	sdelay $0x3  }
0x9a: {  	_ =	strace s7  }
0x9b: {  	_ =	strace $0x8FFFFFFF  }
0x9c: {  	s19 =	sld [smem:$0x3FDB];
	_ =	sdelay $0x1  }
0x9d: {  	s8 =	simm.s32 $_scs_section_size  }
0x9e: {  	s9 =	simm.s32 $_size__tile_overlayer_lowered;
	s10 =	simm.s32 $_tile_overlayer_lowered  }
0x9f: {  	s22 =	simm.s32 $0x1BFF;
	s21 =	sshll.u32 s10, $0x1;
	s7 =	sadd.s32 s8, s19  }
0xa0: {  	s11 =	simm.s32 $0x0;
	s20 =	sshll.u32 s9, $0x1;
	s9 =	sadd.s32 s21, s7  }
0xa1: {  	[timem:s11], [sflag:s22] =	dma.local [hbm:s9], s20  }
0xa2: {  	_ =	swait.ge [sflag:s22], s20  }
0xa3: {  	s8 =	ssub.s32 $0x0, s20;
	[sflag:s22] =	ssyncset.done $0x0  }
0xa4: {  	[sflag:s22] =	ssyncadd.s32 s8;
	_ =	sdelay $0x1  }
0xa5: {  	s23 =	simm.s32 $0x1B8B  }
0xa6: {  	_ =	swait.ge [sflag:s23], $0x1  }
0xa7: {  	[sflag:s23] =	ssyncset.done $0x0  }
0xa8: {  	s25 =	simm.s32 $0x1B8E;
	s24 =	sld [smem:$0x3FFE];
	[sflag:s23] =	ssyncadd.s32 $0xFFFFFFFF  }
0xa9: {  	s26 =	simm.s32 $execute0_lowered;
	[smem:$0x3FD2] =	sst s25  }
0xaa: {  	s9 =	sshll.u32 s26, $0x1;
	_ =	strace $0x80000046;
	[dreg:$0x1] =	wrdreg $0xFFFFFFFF  }
0xab: {  	s28 =	simm.s32 $_size_execute0_lowered;
	s7 =	sadd.s32 s7, s9;
	[dreg:$0x0] =	wrdreg $0x0  }
0xac: {  	s9 =	sshll.u32 s28, $0x1;
	[dreg:$0x2] =	wrdreg s7  }
0xad: {  	[dreg:$0x3] =	wrdreg s9  }
0xae: {  	[dreg:$0x4] =	wrdreg $0xC0  }
0xaf: {  	_ =	task [dreg:s11], $0x5FFFF  }
0xb0: {  	[dreg:$0x1] =	wrdreg $0xFFFFFFFF  }
0xb1: {  	[dreg:$0x0] =	wrdreg $0x60  }
0xb2: {  	[dreg:$0x2] =	wrdreg s2  }
0xb3: {  	[dreg:$0x3] =	wrdreg s18  }
0xb4: {  	[dreg:$0x4] =	wrdreg s4  }
0xb5: {  	[dreg:$0x5] =	wrdreg s5  }
0xb6: {  	[dreg:$0x6] =	wrdreg s6  }
0xb7: {  	[dreg:$0x7] =	wrdreg s24  }
0xb8: {  	[dreg:$0x8] =	wrdreg $0x6B180  }
0xb9: {  	[dreg:$0x9] =	wrdreg $0x9  }
0xba: {  	_ =	task.clear_ibuf [dreg:s11], $0xAFFFF;
	_ =	strace $0x90000046  }
0xbb: {  	s29 =	simm.s32 $0x9;
	_ =	strace $0x80000048  }
0xbc: {  	_ =	swait.ge [sflag:s29], $0x1  }
0xbd: {  	[sflag:s29] =	ssyncadd.s32 $0xFFFFFFFF  }
0xbe: {  	_ =	strace $0x90000048  }
0xbf: {  	_ =	sfence  }
0xc0: {  	s30 =	sld [smem:$0x0];
	_ =	sdelay $0x2  }
0xc1: {  	s31 =	sshll.u32 s1, $0xD;
	s1 =	sshrl.u32 s1, $0x2  }
0xc2: {  	s3 =	sand.u32 $0x4000, s31;
	s1 =	sadd.s32 s1, s30  }
0xc3: {  	s0 =	sor.u32 s3, s0;
	s1 =	sshll.u32 s1, $0x11  }
0xc4: {  	s0 =	sor.u32 s1, s0  }
0xc5: {  	s0 =	sadd.s32 $0x8F2B, s0  }
0xc6: {  	[sflag:s0] =	ssyncadd.remote.s32 $0x1  }
0xc7: {  	_ =	sfence.sel $0xFFFF  }
0xc8: {  	[dreg:$0x0] =	wrdreg $0xFFFFFFFF;
	(pc) =	sbr.abs _section_cstart, $3  }
0xc9: {  	[dreg:$0x1] =	wrdreg $0xFFFFFFFF  }
0xca: {  	_ =	task.clear_ibuf [dreg:s11], $0x2FFFF;
	_ =	strace $0x9FFFFFFF  }
0xcb: {  	(tm) =	ssettm $0x7FFFFFFF  }
tec
execute0_lowered:
.L_overlay_start_1:
0x0: {  	(tag) =	ssettag $0x1  }
0x1: {  	s0 =	rddreg [dreg:$0x0]  }
0x2: {  	s1 =	rddreg [dreg:$0x1]  }
0x3: {  	s2 =	rddreg [dreg:$0x2]  }
0x4: {  	s4 =	rddreg [dreg:$0x3]  }
0x5: {  	s5 =	rddreg [dreg:$0x4]  }
0x6: {  	s6 =	rddreg [dreg:$0x5]  }
0x7: {  	s11 =	rddreg [dreg:$0x6];
	s3 =	simm.s32 $0x0  }
0x8: {  	s7 =	srdreg.scid;
	s12 =	stileid.u32;
	s31 =	simm.s32 $0x4  }
0x9: {  	[smem:$0x7FF] =	sst s3;
	s7 =	sand.u32 $0x1, s7;
	s8 =	sshll.u32 s12, $0x7  }
0xa: {  	s10 =	smul.u32 $0x5DC0, s12;
	s22 =	sadd.s32 $0xC120, s5;
	s23 =	sadd.s32 $0xBB80, s5  }
0xb: {  	s24 =	sadd.s32 $0x9858, s5;
	s25 =	sadd.s32 $0xA410, s5;
	s26 =	sadd.s32 $0xAFC8, s5  }
0xc: {  	s14 =	sadd.s32 $0x5DC0, s11;
	s15 =	sadd.s32 $0xBB80, s11;
	s16 =	sadd.s32 $0x11940, s11  }
0xd: {  	s17 =	sadd.s32 $0x17700, s11;
	_ =	strace $0x80000047;
	[dreg:$0xd] =	wrdreg s22  }
0xe: {  	p0 =	sgt.u32 s12, $0xC;
	s28 =	sadd.s32 $0x3A980, s11;
	[dreg:$0xe] =	wrdreg s23  }
0xf: {  	s29 =	sadd.s32 $0x40740, s11;
	s30 =	sadd.s32 $0x46500, s11;
	[dreg:$0xf] =	wrdreg s24  }
0x10: {  	s9 =	sshll.u32 s7, $0x6;
	s7 =	ssub.s32 $0x2, s7;
	[dreg:$0x10] =	wrdreg s25  }
0x11: {  	[dreg:$0x11] =	wrdreg s26;
	s26 =	sadd.s32 $0x34BC0, s11;
	s8 =	sor.u32 s9, s8  }
0x12: {  	s18 =	sshrl.u32 s7, $0x1;
	s19 =	sshrl.u32 s10, $0x3;
	s6 =	sadd.s32 s8, s6  }
0x13: {  	s7 =	ssub.s32 s7, s18;
	s0 =	sadd.s32 s0, s8;
	s9 =	sadd.s32 s5, s19  }
0x14: {  	s1 =	sadd.s32 s1, s8;
	s20 =	sadd.s32 s2, s8;
	[dreg:$0x8] =	wrdreg s0  }
0x15: {  	s21 =	sadd.s32 s4, s8;
	s18 =	sadd.s32 $0x1D4C0, s11;
	[dreg:$0x9] =	wrdreg s9  }
0x16: {  	s19 =	sadd.s32 $0x23280, s11;
	s2 =	simm.s32 $0x400;
	[dreg:$0xa] =	wrdreg s1  }
0x17: {  	s4 =	simm.s32 $0x3E18;
	s5 =	simm.s32 $0x600;
	[dreg:$0xb] =	wrdreg s20  }
0x18: {  	s8 =	simm.s32 $0x2;
	s0 =	sadd.s32 s10, s11;
	[dreg:$0xc] =	wrdreg s21  }
0x19: {  	s20 =	sadd.s32 $0x29040, s11;
	s21 =	sadd.s32 $0x2EE00, s11;
	s22 =	sadd.s32 $0x8400, s6  }
0x1a: {  	s23 =	sadd.s32 $0x400, s6;
	s24 =	smax.u32 s7, $0x1;
	s1 =	simm.s32 $0x3E00  }
0x1b: {  	s6 =	simm.s32 $0x4000;
	s7 =	simm.s32 $0x1;
	s9 =	simm.s32 $0x3  }
0x1c: {  	v0 =	vlaneseq.u32;
	s10 =	simm.s32 $0x0;
	s25 =	sshrl.u32 @!p0 s0, $0x3;
	s0 =	simm.s32 $0x200  }
.LBB2_1:
0x1d: {  	s11 =	rddreg [dreg:$0x8]  }
0x1e: {  	[tilespmem:s3], [sflag:$0x4] =	stream.linear.gather [hbm4b:s11+s3], $0x200, $0x38;
	[tilespmem:$0xB748] =	vst v63  }
0x1f: {  	s11 =	stileid.u32;
	_ =	swait.ge [sflag:s31], $0x200  }
0x20: {  	s11 =	sshll.u32 @!p0 s11, $0x6;
	[sflag:s31] =	ssyncset.done $0x0  }
0x21: {  	s11 =	sor.u32 @!p0 $0x1C04, s11;
	s12 =	rddreg [dreg:$0x9];
	[sflag:s31] =	ssyncadd.s32 $0xFFFFFE00  }
0x22: {  	[spmem:s25], [sflag:s11] =	dma.local @!p0 [hbm:s12], $0xBB8  }
0x23: {  	s11 =	simm.s32 @!p0 $0x4  }
0x24: {  	_ =	swait.ge @!p0 [sflag:s11], $0xBB8  }
0x25: {  	[sflag:s11] =	ssyncset.done @!p0 $0x0  }
0x26: {  	s12 =	rddreg [dreg:$0xa];
	[sflag:s11] =	ssyncadd.s32 @!p0 $0xFFFFF448  }
0x27: {  	[tilespmem:s0], [sflag:$0x4] =	stream.linear.gather [hbm4b:s12+s3], $0x200, $0x38;
	[tilespmem:$0xB748] =	vst v63  }
0x28: {  	_ =	swait.ge [sflag:s31], $0x200  }
0x29: {  	[sflag:s31] =	ssyncset.done $0x0  }
0x2a: {  	s13 =	rddreg [dreg:$0xb];
	[sflag:s31] =	ssyncadd.s32 $0xFFFFFE00  }
0x2b: {  	[tilespmem:s2], [sflag:$0x4] =	stream.linear.gather [hbm4b:s13+s3], $0x200, $0x38;
	[tilespmem:$0xB748] =	vst v63  }
0x2c: {  	_ =	swait.ge [sflag:s31], $0x200  }
0x2d: {  	[sflag:s31] =	ssyncset.done $0x0  }
0x2e: {  	s13 =	simm.s32 $0x3C00;
	s12 =	rddreg [dreg:$0xc];
	[sflag:s31] =	ssyncadd.s32 $0xFFFFFE00  }
0x2f: {  	[tilespmem:s13], [sflag:$0x4] =	stream.linear.gather [hbm4b:s12+s3], $0x200, $0x38;
	[tilespmem:$0xB748] =	vst v63  }
0x30: {  	_ =	swait.ge [sflag:s31], $0x200  }
0x31: {  	[sflag:s31] =	ssyncset.done $0x0  }
0x32: {  	s12 =	rddreg [dreg:$0xd];
	[sflag:s31] =	ssyncadd.s32 $0xFFFFFE00  }
0x33: {  	[tilespmem:s1], [sflag:$0x4] =	stream.linear.gather [hbm4b:s12+s3], $0x15, $0x38;
	[tilespmem:$0xB748] =	vst v63  }
0x34: {  	_ =	swait.ge [sflag:s31], $0x15  }
0x35: {  	[sflag:s31] =	ssyncset.done $0x0  }
0x36: {  	s13 =	rddreg [dreg:$0xe];
	[sflag:s31] =	ssyncadd.s32 $0xFFFFFFEB  }
0x37: {  	[tilespmem:s4], [sflag:$0x4] =	stream.linear.gather [hbm4b:s13+s3], $0x2D00, $0x38;
	[tilespmem:$0xB748] =	vst v63  }
0x38: {  	_ =	swait.ge [sflag:s31], $0x2D00  }
0x39: {  	[sflag:s31] =	ssyncset.done $0x0  }
0x3a: {  	s13 =	simm.s32 $0x2000;
	s12 =	rddreg [dreg:$0xf];
	[sflag:s31] =	ssyncadd.s32 $0xFFFFD300  }
0x3b: {  	[tilespmem:s13], [sflag:$0x1] =	stream.indirect.gather [hbm4b:s12+s0], $0x1, s3, s0, $0xb8;
	[tilespmem:$0xB748] =	vst v63  }
0x3c: {  	s12 =	rddreg [dreg:$0x10];
	s13 =	simm.s32 $0x2200  }
0x3d: {  	[tilespmem:s13], [sflag:$0x1] =	stream.indirect.gather [hbm4b:s12+s0], $0x1, s3, s0, $0xb8;
	[tilespmem:$0xB748] =	vst v63  }
0x3e: {  	s12 =	rddreg [dreg:$0x11];
	s13 =	simm.s32 $0x2400  }
0x3f: {  	[tilespmem:s13], [sflag:$0x1] =	stream.indirect.gather [hbm4b:s12+s0], $0x1, s3, s0, $0xb8;
	[tilespmem:$0xB748] =	vst v63  }
0x40: {  	[bflag:$0x0] =	sbarrier.arrive $0xFFFF  }
0x41: {  	s12 =	rddreg [dreg:$0x6]  }
0x42: {  	[tilespmem:s5], [sflag:$0x2] =	stream.indirect.gather [spmem:s12], $0x1, s3, s0, $0xb8;
	[tilespmem:$0xB748] =	vst v63  }
0x43: {  	s13 =	simm.s32 $0x800  }
0x44: {  	[tilespmem:s13], [sflag:$0x2] =	stream.indirect.gather [spmem:s14], $0x1, s3, s0, $0xb8;
	[tilespmem:$0xB748] =	vst v63  }
0x45: {  	s12 =	simm.s32 $0xA00  }
0x46: {  	[tilespmem:s12], [sflag:$0x2] =	stream.indirect.gather [spmem:s15], $0x1, s3, s0, $0xb8;
	[tilespmem:$0xB748] =	vst v63  }
0x47: {  	s13 =	simm.s32 $0xC00  }
0x48: {  	[tilespmem:s13], [sflag:$0x2] =	stream.indirect.gather [spmem:s16], $0x1, s3, s0, $0xb8;
	[tilespmem:$0xB748] =	vst v63  }
0x49: {  	s12 =	simm.s32 $0xE00  }
0x4a: {  	[tilespmem:s12], [sflag:$0x2] =	stream.indirect.gather [spmem:s17], $0x1, s3, s0, $0xb8;
	[tilespmem:$0xB748] =	vst v63  }
0x4b: {  	s13 =	simm.s32 $0x1000  }
0x4c: {  	[tilespmem:s13], [sflag:$0x2] =	stream.indirect.gather [spmem:s18], $0x1, s3, s0, $0xb8;
	[tilespmem:$0xB748] =	vst v63  }
0x4d: {  	s12 =	simm.s32 $0x1200  }
0x4e: {  	[tilespmem:s12], [sflag:$0x2] =	stream.indirect.gather [spmem:s19], $0x1, s3, s0, $0xb8;
	[tilespmem:$0xB748] =	vst v63  }
0x4f: {  	s13 =	simm.s32 $0x1400  }
0x50: {  	[tilespmem:s13], [sflag:$0x2] =	stream.indirect.gather [spmem:s20], $0x1, s3, s0, $0xb8;
	[tilespmem:$0xB748] =	vst v63  }
0x51: {  	s12 =	simm.s32 $0x1600  }
0x52: {  	[tilespmem:s12], [sflag:$0x2] =	stream.indirect.gather [spmem:s21], $0x1, s3, s0, $0xb8;
	[tilespmem:$0xB748] =	vst v63  }
0x53: {  	s13 =	simm.s32 $0x1800  }
0x54: {  	[tilespmem:s13], [sflag:$0x2] =	stream.indirect.gather [spmem:s26], $0x1, s3, s0, $0xb8;
	[tilespmem:$0xB748] =	vst v63  }
0x55: {  	s12 =	simm.s32 $0x1A00  }
0x56: {  	v1 =	vor.u32 s3, v0;
	[tilespmem:s12], [sflag:$0x2] =	stream.indirect.gather [spmem:s28], $0x1, s3, s0, $0xb8;
	[tilespmem:$0xB748] =	vst v63  }
0x57: {  	s13 =	simm.s32 $0x1C00  }
0x58: {  	[tilespmem:s13], [sflag:$0x2] =	stream.indirect.gather [spmem:s29], $0x1, s3, s0, $0xb8;
	[tilespmem:$0xB748] =	vst v63  }
0x59: {  	s12 =	simm.s32 $0x1E00  }
0x5a: {  	[tilespmem:s12], [sflag:$0x2] =	stream.indirect.gather [spmem:s30], $0x1, s3, s0, $0xb8;
	[tilespmem:$0xB748] =	vst v63  }
0x5b: {  	v2 =	vld.idx.msk [tilespmem:v1+s0+$0x0], $0xffff;
	_ =	sdelay $0x7  }
0x5c: {  	v3 =	vld.idx.msk [tilespmem:v2+s1+$0x0], $0xffff  }
0x5d: {  	v4 =	vadd.s32 $0x7, v2;
	_ =	sdelay $0x2  }
0x5e: {  	s11 =	simm.s32 $0x3A00  }
0x5f: {  	[tilespmem:s11+$0xFFFFEC00] =	vst v3  }
0x60: {  	v3 =	vld.idx.msk [tilespmem:v4+s1+$0x0], $0xffff  }
0x61: {  	v2 =	vadd.s32 $0xE, v2;
	_ =	sdelay $0x3  }
0x62: {  	[tilespmem:s11+$0xFFFFEE00] =	vst v3  }
0x63: {  	v2 =	vld.idx.msk [tilespmem:v2+s1+$0x0], $0xffff;
	_ =	sdelay $0x4  }
0x64: {  	[tilespmem:s11+$0xFFFFF000] =	vst v2  }
0x65: {  	v1 =	vld.idx.msk [tilespmem:v1+s2+$0x0], $0xffff;
	_ =	sdelay $0x7  }
0x66: {  	v2 =	vld.idx.msk [tilespmem:v1+s4+$0x0], $0xffff  }
0x67: {  	v3 =	vadd.s32 $0x5A0, v1;
	_ =	sdelay $0x3  }
0x68: {  	[tilespmem:s11+$0xFFFFF200] =	vst v2  }
0x69: {  	v2 =	vld.idx.msk [tilespmem:v3+s4+$0x0], $0xffff  }
0x6a: {  	v3 =	vadd.s32 $0xB40, v1;
	_ =	sdelay $0x3  }
0x6b: {  	[tilespmem:s11+$0xFFFFF400] =	vst v2  }
0x6c: {  	v2 =	vld.idx.msk [tilespmem:v3+s4+$0x0], $0xffff  }
0x6d: {  	v3 =	vadd.s32 $0x10E0, v1;
	_ =	sdelay $0x3  }
0x6e: {  	[tilespmem:s11+$0xFFFFF600] =	vst v2  }
0x6f: {  	v2 =	vld.idx.msk [tilespmem:v3+s4+$0x0], $0xffff  }
0x70: {  	v3 =	vadd.s32 $0x1680, v1;
	_ =	sdelay $0x3  }
0x71: {  	[tilespmem:s11+$0xFFFFF800] =	vst v2  }
0x72: {  	v2 =	vld.idx.msk [tilespmem:v3+s4+$0x0], $0xffff  }
0x73: {  	v3 =	vadd.s32 $0x1C20, v1;
	_ =	sdelay $0x3  }
0x74: {  	[tilespmem:s11+$0xFFFFFA00] =	vst v2  }
0x75: {  	v2 =	vld.idx.msk [tilespmem:v3+s4+$0x0], $0xffff  }
0x76: {  	v3 =	vadd.s32 $0x21C0, v1;
	_ =	sdelay $0x3  }
0x77: {  	[tilespmem:s11+$0xFFFFFC00] =	vst v2  }
0x78: {  	v2 =	vld.idx.msk [tilespmem:v3+s4+$0x0], $0xffff  }
0x79: {  	v3 =	vadd.s32 $0x2760, v1;
	_ =	sdelay $0x3  }
0x7a: {  	[tilespmem:s11+$0xFFFFFE00] =	vst v2  }
0x7b: {  	s13 =	simm.s32 $0x10;
	v2 =	vld.idx.msk [tilespmem:v3+s4+$0x0], $0xffff  }
0x7c: {  	s12 =	simm.s32 $0x20;
	v1 =	vor.u32 s13, v0  }
.LBB2_2:
0x7d: {  	_ =	sdelay $0x1  }
0x7e: {  	p1 =	sne.s32 s12, $0x1F0  }
0x7f: {  	s13 =	smov.u32 s12;
	s12 =	sadd.s32 $0x10, s12;
	[tilespmem:s11+$0x0] =	vst v2;
	s11 =	sadd.s32 $0x10, s11  }
0x80: {  	v2 =	vld.idx.msk [tilespmem:v1+s0+$0x0], $0xffff;
	_ =	sdelay $0x7  }
0x81: {  	v3 =	vld.idx.msk [tilespmem:v2+s1+$0x0], $0xffff;
	_ =	sdelay $0x1  }
0x82: {  	v4 =	vadd.s32 $0x7, v2;
	_ =	sdelay $0x3  }
0x83: {  	[tilespmem:s11+$0xFFFFEC00] =	vst v3  }
0x84: {  	v3 =	vld.idx.msk [tilespmem:v4+s1+$0x0], $0xffff;
	_ =	sdelay $0x1  }
0x85: {  	v2 =	vadd.s32 $0xE, v2;
	_ =	sdelay $0x3  }
0x86: {  	[tilespmem:s11+$0xFFFFEE00] =	vst v3  }
0x87: {  	v2 =	vld.idx.msk [tilespmem:v2+s1+$0x0], $0xffff;
	_ =	sdelay $0x5  }
0x88: {  	[tilespmem:s11+$0xFFFFF000] =	vst v2  }
0x89: {  	v1 =	vld.idx.msk [tilespmem:v1+s2+$0x0], $0xffff;
	_ =	sdelay $0x7  }
0x8a: {  	v2 =	vld.idx.msk [tilespmem:v1+s4+$0x0], $0xffff;
	_ =	sdelay $0x1  }
0x8b: {  	v3 =	vadd.s32 $0x5A0, v1;
	_ =	sdelay $0x3  }
0x8c: {  	[tilespmem:s11+$0xFFFFF200] =	vst v2  }
0x8d: {  	v2 =	vld.idx.msk [tilespmem:v3+s4+$0x0], $0xffff;
	_ =	sdelay $0x1  }
0x8e: {  	v3 =	vadd.s32 $0xB40, v1;
	_ =	sdelay $0x3  }
0x8f: {  	[tilespmem:s11+$0xFFFFF400] =	vst v2  }
0x90: {  	v2 =	vld.idx.msk [tilespmem:v3+s4+$0x0], $0xffff;
	_ =	sdelay $0x1  }
0x91: {  	v3 =	vadd.s32 $0x10E0, v1;
	_ =	sdelay $0x3  }
0x92: {  	[tilespmem:s11+$0xFFFFF600] =	vst v2  }
0x93: {  	v2 =	vld.idx.msk [tilespmem:v3+s4+$0x0], $0xffff;
	_ =	sdelay $0x1  }
0x94: {  	v3 =	vadd.s32 $0x1680, v1;
	_ =	sdelay $0x3  }
0x95: {  	[tilespmem:s11+$0xFFFFF800] =	vst v2  }
0x96: {  	v2 =	vld.idx.msk [tilespmem:v3+s4+$0x0], $0xffff;
	_ =	sdelay $0x1  }
0x97: {  	v3 =	vadd.s32 $0x1C20, v1;
	_ =	sdelay $0x3  }
0x98: {  	[tilespmem:s11+$0xFFFFFA00] =	vst v2  }
0x99: {  	v2 =	vld.idx.msk [tilespmem:v3+s4+$0x0], $0xffff;
	_ =	sdelay $0x1  }
0x9a: {  	v3 =	vadd.s32 $0x21C0, v1;
	_ =	sdelay $0x3  }
0x9b: {  	[tilespmem:s11+$0xFFFFFC00] =	vst v2  }
0x9c: {  	v2 =	vld.idx.msk [tilespmem:v3+s4+$0x0], $0xffff;
	_ =	sdelay $0x1  }
0x9d: {  	v1 =	vadd.s32 $0x2760, v1;
	_ =	sdelay $0x2  }
.Ltmp0:
0x9e: {  	(pc) =	sbr.rel @p1 .LBB2_2-.Ltmp0, $3  }
0x9f: {  	[tilespmem:s11+$0xFFFFFE00] =	vst v2  }
0xa0: {  	v2 =	vld.idx.msk [tilespmem:v1+s4+$0x0], $0xffff;
	_ =	sdelay $0x1  }
0xa1: {  	v1 =	vor.u32 s13, v0  }
0xa2: {  	_ =	sdelay $0x2  }
0xa3: {  	[tilespmem:s11+$0x0] =	vst v2  }
0xa4: {  	v2 =	vld.idx.msk [tilespmem:v1+s0+$0x0], $0xffff;
	_ =	sdelay $0x7  }
0xa5: {  	v3 =	vld.idx.msk [tilespmem:v2+s1+$0x0], $0xffff  }
0xa6: {  	v4 =	vadd.s32 $0x7, v2;
	_ =	sdelay $0x2  }
0xa7: {  	s12 =	sadd.s32 $0x10, s11  }
0xa8: {  	[tilespmem:s12+$0xFFFFEC00] =	vst v3  }
0xa9: {  	v3 =	vld.idx.msk [tilespmem:v4+s1+$0x0], $0xffff  }
0xaa: {  	v2 =	vadd.s32 $0xE, v2;
	_ =	sdelay $0x3  }
0xab: {  	[tilespmem:s12+$0xFFFFEE00] =	vst v3  }
0xac: {  	v2 =	vld.idx.msk [tilespmem:v2+s1+$0x0], $0xffff;
	_ =	sdelay $0x4  }
0xad: {  	[tilespmem:s12+$0xFFFFF000] =	vst v2  }
0xae: {  	v1 =	vld.idx.msk [tilespmem:v1+s2+$0x0], $0xffff;
	_ =	sdelay $0x7  }
0xaf: {  	v2 =	vld.idx.msk [tilespmem:v1+s4+$0x0], $0xffff  }
0xb0: {  	v3 =	vadd.s32 $0x5A0, v1;
	_ =	sdelay $0x3  }
0xb1: {  	[tilespmem:s12+$0xFFFFF200] =	vst v2  }
0xb2: {  	v2 =	vld.idx.msk [tilespmem:v3+s4+$0x0], $0xffff  }
0xb3: {  	v3 =	vadd.s32 $0xB40, v1;
	_ =	sdelay $0x3  }
0xb4: {  	[tilespmem:s12+$0xFFFFF400] =	vst v2  }
0xb5: {  	v2 =	vld.idx.msk [tilespmem:v3+s4+$0x0], $0xffff  }
0xb6: {  	v3 =	vadd.s32 $0x10E0, v1;
	_ =	sdelay $0x3  }
0xb7: {  	[tilespmem:s12+$0xFFFFF600] =	vst v2  }
0xb8: {  	v2 =	vld.idx.msk [tilespmem:v3+s4+$0x0], $0xffff  }
0xb9: {  	v3 =	vadd.s32 $0x1680, v1;
	_ =	sdelay $0x3  }
0xba: {  	[tilespmem:s12+$0xFFFFF800] =	vst v2  }
0xbb: {  	v2 =	vld.idx.msk [tilespmem:v3+s4+$0x0], $0xffff  }
0xbc: {  	v3 =	vadd.s32 $0x1C20, v1;
	_ =	sdelay $0x3  }
0xbd: {  	[tilespmem:s12+$0xFFFFFA00] =	vst v2  }
0xbe: {  	v2 =	vld.idx.msk [tilespmem:v3+s4+$0x0], $0xffff  }
0xbf: {  	v3 =	vadd.s32 $0x21C0, v1;
	_ =	sdelay $0x3  }
0xc0: {  	[tilespmem:s12+$0xFFFFFC00] =	vst v2  }
0xc1: {  	v2 =	vld.idx.msk [tilespmem:v3+s4+$0x0], $0xffff  }
0xc2: {  	v1 =	vadd.s32 $0x2760, v1;
	_ =	sdelay $0x3  }
0xc3: {  	[tilespmem:s12+$0xFFFFFE00] =	vst v2  }
0xc4: {  	v1 =	vld.idx.msk [tilespmem:v1+s4+$0x0], $0xffff;
	_ =	sdelay $0x4  }
0xc5: {  	s13 =	simm.s32 $0x2600;
	[tilespmem:s12+$0x0] =	vst v1  }
0xc6: {  	[hbm4b:s22+s0] =	stream.strided.scatter [tilespmem:s13], [sflag:$0x3], $0x1800, s6, s0, $0x38;
	[tilespmem:$0xB748] =	vst v63  }
0xc7: {  	_ =	swait.ge [sflag:s7], $0x200  }
0xc8: {  	[sflag:s7] =	ssyncset.done $0x0  }
0xc9: {  	[sflag:s7] =	ssyncadd.s32 $0xFFFFFE00  }
0xca: {  	_ =	swait.ge [sflag:s7], $0x200  }
0xcb: {  	[sflag:s7] =	ssyncset.done $0x0  }
0xcc: {  	[sflag:s7] =	ssyncadd.s32 $0xFFFFFE00  }
0xcd: {  	_ =	swait.ge [sflag:s7], $0x200  }
0xce: {  	[sflag:s7] =	ssyncset.done $0x0  }
0xcf: {  	[sflag:s7] =	ssyncadd.s32 $0xFFFFFE00  }
0xd0: {  	_ =	swait.ge [sflag:s8], $0x200  }
0xd1: {  	[sflag:s8] =	ssyncset.done $0x0  }
0xd2: {  	[sflag:s8] =	ssyncadd.s32 $0xFFFFFE00  }
0xd3: {  	_ =	swait.ge [sflag:s8], $0x200  }
0xd4: {  	[sflag:s8] =	ssyncset.done $0x0  }
0xd5: {  	[sflag:s8] =	ssyncadd.s32 $0xFFFFFE00  }
0xd6: {  	_ =	swait.ge [sflag:s8], $0x200  }
0xd7: {  	[sflag:s8] =	ssyncset.done $0x0  }
0xd8: {  	[sflag:s8] =	ssyncadd.s32 $0xFFFFFE00  }
0xd9: {  	_ =	swait.ge [sflag:s8], $0x200  }
0xda: {  	[sflag:s8] =	ssyncset.done $0x0  }
0xdb: {  	[sflag:s8] =	ssyncadd.s32 $0xFFFFFE00  }
0xdc: {  	_ =	swait.ge [sflag:s8], $0x200  }
0xdd: {  	[sflag:s8] =	ssyncset.done $0x0  }
0xde: {  	[sflag:s8] =	ssyncadd.s32 $0xFFFFFE00  }
0xdf: {  	_ =	swait.ge [sflag:s8], $0x200  }
0xe0: {  	[sflag:s8] =	ssyncset.done $0x0  }
0xe1: {  	[sflag:s8] =	ssyncadd.s32 $0xFFFFFE00  }
0xe2: {  	_ =	swait.ge [sflag:s8], $0x200  }
0xe3: {  	[sflag:s8] =	ssyncset.done $0x0  }
0xe4: {  	[sflag:s8] =	ssyncadd.s32 $0xFFFFFE00  }
0xe5: {  	_ =	swait.ge [sflag:s8], $0x200  }
0xe6: {  	[sflag:s8] =	ssyncset.done $0x0  }
0xe7: {  	[sflag:s8] =	ssyncadd.s32 $0xFFFFFE00  }
0xe8: {  	_ =	swait.ge [sflag:s8], $0x200  }
0xe9: {  	[sflag:s8] =	ssyncset.done $0x0  }
0xea: {  	[sflag:s8] =	ssyncadd.s32 $0xFFFFFE00  }
0xeb: {  	_ =	swait.ge [sflag:s8], $0x200  }
0xec: {  	[sflag:s8] =	ssyncset.done $0x0  }
0xed: {  	[sflag:s8] =	ssyncadd.s32 $0xFFFFFE00  }
0xee: {  	_ =	swait.ge [sflag:s8], $0x200  }
0xef: {  	[sflag:s8] =	ssyncset.done $0x0  }
0xf0: {  	[sflag:s8] =	ssyncadd.s32 $0xFFFFFE00  }
0xf1: {  	_ =	swait.ge [sflag:s8], $0x200  }
0xf2: {  	[sflag:s8] =	ssyncset.done $0x0  }
0xf3: {  	[sflag:s8] =	ssyncadd.s32 $0xFFFFFE00  }
0xf4: {  	_ =	swait.ge [sflag:s8], $0x200  }
0xf5: {  	[sflag:s8] =	ssyncset.done $0x0  }
0xf6: {  	[sflag:s8] =	ssyncadd.s32 $0xFFFFFE00  }
0xf7: {  	s10 =	sadd.s32 $0x1, s10;
	_ =	swait.ge [sflag:s9], $0x1800  }
0xf8: {  	p1 =	sne.s32 s10, s24;
	[sflag:s9] =	ssyncset.done $0x0  }
.Ltmp1:
0xf9: {  	[sflag:s9] =	ssyncadd.s32 $0xFFFFE800;
	(pc) =	sbr.rel @p1 .LBB2_1-.Ltmp1, $4  }
0xfa: {  	[hbm4b:s23+s0] =	stream.strided.scatter [tilespmem:s5], [sflag:$0x4], $0x2000, s6, s0, $0x38;
	[tilespmem:$0xB748] =	vst v63  }
0xfb: {  	_ =	swait.ge [sflag:s31], $0x2000  }
0xfc: {  	[sflag:s31] =	ssyncset.done $0x0  }
0xfd: {  	[sflag:s31] =	ssyncadd.s32 $0xFFFFE000  }
0xfe: {  	_ =	sfence.sel $0x180000  }
0xff: {  	[bflag:$0x0] =	sbarrier.arrive $0xFFFF  }
0x100: {  	_ =	strace $0x90000047  }
0x101: {  	s0 =	stileid.u32;
	[bflag:$0x2] =	sbarrier.arrive $0xFFFF  }
0x102: {  	p0 =	sne.s32 s0, $0x0;
	s0 =	rddreg [dreg:$0x7]  }
0x103: {  	s0 =	sadd.s32 @!p0 $0x100000, s0  }
0x104: {  	[sflag:s0] =	ssyncadd.tile.s32 @!p0 $0x1;
	_ =	shalt  }
.Lfunc_end2:
_tile_overlayer_lowered:
.L_overlay_start_2:
0x105: {  	(tag) =	ssettag $0x2  }
0x106: {  	s0 =	rddreg [dreg:$0x0];
	s2 =	stileid.u32  }
0x107: {  	s1 =	rddreg [dreg:$0x1];
	p0 =	sne.s32 s2, $0x0  }
0x108: {  	s3 =	rddreg [dreg:$0x2];
	[bflag:$0x3] =	sbarrier.arrive $0xFFFF;
	s2 =	simm.s32 @!p0 $0x1C04  }
0x109: {  	[timem:s3], [sflag:s2] =	dma.local @!p0 [hbm:s0], s1  }
0x10a: {  	s0 =	simm.s32 @!p0 $0x4  }
0x10b: {  	_ =	swait.ge @!p0 [sflag:s0], s1  }
0x10c: {  	s1 =	ssub.s32 @!p0 $0x0, s1;
	[sflag:s0] =	ssyncset.done @!p0 $0x0  }
0x10d: {  	[sflag:s0] =	ssyncadd.s32 @!p0 s1  }
0x10e: {  	[bflag:$0x3] =	sbarrier.arrive $0xFFFF  }
0x10f: {  	_ =	shalt  }

</sc_bundles>
